<compile_context>
chip_gen: v7x
topology: tpu7x:2x2x1
jax: 0.10.2.dev20260603
libtpu: 0.0.44.dev20260713+nightly
codegen_flags: <defaults>
</compile_context>

<pallas_src>
import functools

import jax
import jax.numpy as jnp
from jax import lax
from jax.experimental import pallas as pl
from jax.experimental.pallas import tpu as pltpu
from jax.experimental.pallas import tpu_sc as plsc

F = 64
CAV = 5
NY = 504
NX = 504
NP = NY * NX
BLK = 8 * NX
NMACRO = CAV * (NY // 8)
NPIL = 40000
NPAD = 40960
PIDLEN = 1271808
PREG = PIDLEN // 16
PCHUNK = PREG // 4
BPILL = NPAD // 16


def _body(b_hbm, y_hbm, x_hbm, feat_hbm, pid_hbm, out_hbm,
          initbuf, b_v, y_v, x_v, ids_v, dest2d, chk_v,
          pid_v, idl, posl, rows_v, slab0, slab1,
          semA, semS, semG, semW0, semW1):
    c = lax.axis_index("c")
    s = lax.axis_index("s")
    wid = s * 2 + c
    iota = lax.iota(jnp.int32, 16)
    neg1 = jnp.full((16,), -1, jnp.int32)
    zeros16f = jnp.zeros((16,), jnp.float32)
    zeros16i = jnp.zeros((16,), jnp.int32)
    ones16i = jnp.full((16,), 1, jnp.int32)

    def mset_init(i, carry):
        initbuf[pl.ds(i * 16, 16)] = neg1
        return carry

    lax.fori_loop(0, PCHUNK // 16, mset_init, 0)
    pbase = c * PIDLEN
    a_copies = [
        pltpu.async_copy(
            initbuf,
            pid_hbm.at[pl.ds(pbase + s * PREG + k * PCHUNK, PCHUNK)], semA)
        for k in range(4)
    ]

    def mset_slab(slab):
        def step(t, carry):
            slab[pl.ds(t * 16, 16)] = zeros16f
            return carry
        lax.fori_loop(0, 8 * BLK // 16, step, 0)

    mset_slab(slab0)
    mset_slab(slab1)

    def mset_lists(i, carry):
        sl = pl.ds(i * 16, 16)
        idl[sl] = zeros16i
        posl[sl] = zeros16i
        return carry

    lax.fori_loop(0, 4096 // 16, mset_lists, 0)

    c0 = s * BPILL
    pltpu.sync_copy(b_hbm.at[pl.ds(c0, BPILL)], b_v)
    pltpu.sync_copy(y_hbm.at[pl.ds(c0, BPILL)], y_v)
    pltpu.sync_copy(x_hbm.at[pl.ds(c0, BPILL)], x_v)

    def bcompute(i, carry):
        sl = pl.ds(i * 16, 16)
        d = pbase + b_v[sl] * NP + y_v[sl] * NX + x_v[sl]
        dest2d[i // 8, pl.ds((i % 8) * 16, 16)] = d
        ids_v[sl] = c0 + i * 16 + iota
        return carry

    lax.fori_loop(0, BPILL // 16, bcompute, 0)

    for cp in a_copies:
        cp.wait()
    plsc.subcore_barrier()

    s_copies = [
        pltpu.async_copy(ids_v.at[pl.ds(j * 128, 128)],
                         pid_hbm.at[dest2d.at[j]], semS)
        for j in range(BPILL // 128)
    ]
    for cp in s_copies:
        cp.wait()

    def verify_once(_carry):
        def gstep(j, acc):
            pltpu.async_copy(pid_hbm.at[dest2d.at[j]], chk_v, semS).wait()

            def cstep(i, a2):
                neq = (chk_v[pl.ds(i * 16, 16)]
                       != ids_v[pl.ds(j * 128 + i * 16, 16)])
                return a2 + jnp.sum(jnp.where(neq, ones16i, zeros16i))

            return lax.fori_loop(0, 8, cstep, acc)

        return lax.fori_loop(0, BPILL // 128, gstep, jnp.int32(0))

    lax.while_loop(lambda m: m > 0, verify_once, jnp.int32(1))
    plsc.subcore_barrier()

    def compress():
        def step(i, n):
            v = pid_v[pl.ds(i * 16, 16)]
            m = v >= 0
            cs = plsc.cumsum(jnp.where(m, ones16i, zeros16i))
            posv = n + cs - 1
            plsc.store_scatter(idl, [posv], v, mask=m)
            plsc.store_scatter(posl, [posv], i * 16 + iota, mask=m)
            return n + jnp.max(cs)

        return lax.fori_loop(0, BLK // 16, step, jnp.int32(0))

    def assemble(slab, oc, n):
        def gstep(g, carry):
            @pl.when(g * 128 < n)
            def _():
                pltpu.async_copy(
                    feat_hbm.at[idl.at[pl.ds(g * 128, 128)]], rows_v, semG
                ).wait()

                def qstep(q, c2):
                    base = g * 128 + q * 16

                    @pl.when(base < n)
                    def _():
                        pv = posl[pl.ds(base, 16)]
                        mk = (base + iota) < n
                        ridx = q * 16 + iota

                        def cstep(ch, c3):
                            col = oc * 8 + ch + zeros16i
                            val = plsc.load_gather(rows_v, [ridx, col])
                            plsc.store_scatter(
                                slab, [(ch + zeros16i) * BLK + pv], val,
                                mask=mk)
                            return c3

                        lax.fori_loop(0, 8, cstep, 0)
                    return c2

                lax.fori_loop(0, 8, qstep, 0)
            return carry

        lax.fori_loop(0, 32, gstep, 0)

    def rezero(slab, n):
        def tstep(t, carry):
            base = t * 16

            @pl.when(base < n)
            def _():
                pv = posl[pl.ds(base, 16)]
                mk = (base + iota) < n

                def cstep(ch, c2):
                    plsc.store_scatter(
                        slab, [(ch + zeros16i) * BLK + pv], zeros16f, mask=mk)
                    return c2

                lax.fori_loop(0, 8, cstep, 0)
            return carry

        lax.fori_loop(0, BLK // 16, tstep, 0)

    def fire_write(b, yb, oc, slab, semw):
        def wf(ch, carry):
            off = ((b * F + oc * 8 + ch) * NY + yb * 8) * NX
            pltpu.async_copy(slab.at[pl.ds(ch * BLK, BLK)],
                             out_hbm.at[pl.ds(off, BLK)], semw)
            return carry

        lax.fori_loop(0, 8, wf, 0)

    def wait_write(slab, semw):
        def ww(ch, carry):
            pltpu.make_async_copy(slab.at[pl.ds(0, BLK)],
                                  out_hbm.at[pl.ds(0, BLK)], semw).wait()
            return carry

        lax.fori_loop(0, 8, ww, 0)

    def macro_body(k, carry):
        mu = wid + 32 * k

        @pl.when(mu < NMACRO)
        def _():
            b = mu // (NY // 8)
            yb = mu % (NY // 8)
            pltpu.sync_copy(
                pid_hbm.at[pl.ds(pbase + b * NP + yb * BLK, BLK)], pid_v)
            n = compress()

            def pstep(po, c2):
                @pl.when(po > 0)
                def _():
                    wait_write(slab0, semW0)
                    rezero(slab0, n)
                    wait_write(slab1, semW1)
                    rezero(slab1, n)

                assemble(slab0, 2 * po, n)
                fire_write(b, yb, 2 * po, slab0, semW0)
                assemble(slab1, 2 * po + 1, n)
                fire_write(b, yb, 2 * po + 1, slab1, semW1)
                return c2

            lax.fori_loop(0, 4, pstep, 0)
            wait_write(slab0, semW0)
            rezero(slab0, n)
            wait_write(slab1, semW1)
            rezero(slab1, n)
        return carry

    lax.fori_loop(0, 10, macro_body, 0)


@jax.jit
def _run(b_col, y_col, x_col, feat_pad):
    mesh = plsc.VectorSubcoreMesh(core_axis_name="c", subcore_axis_name="s")
    k = functools.partial(
        pl.kernel,
        mesh=mesh,
        compiler_params=pltpu.CompilerParams(needs_layout_passes=False),
        out_type=(
            jax.ShapeDtypeStruct((2 * PIDLEN,), jnp.int32),
            jax.ShapeDtypeStruct((CAV * F * NP,), jnp.float32),
        ),
        scratch_types=[
            pltpu.VMEM((PCHUNK,), jnp.int32),
            pltpu.VMEM((BPILL,), jnp.int32),
            pltpu.VMEM((BPILL,), jnp.int32),
            pltpu.VMEM((BPILL,), jnp.int32),
            pltpu.VMEM((BPILL,), jnp.int32),
            pltpu.VMEM((BPILL // 128, 128), jnp.int32),
            pltpu.VMEM((128,), jnp.int32),
            pltpu.VMEM((BLK,), jnp.int32),
            pltpu.VMEM((4096,), jnp.int32),
            pltpu.VMEM((4096,), jnp.int32),
            pltpu.VMEM((128, 128), jnp.float32),
            pltpu.VMEM((8 * BLK,), jnp.float32),
            pltpu.VMEM((8 * BLK,), jnp.float32),
            pltpu.SemaphoreType.DMA,
            pltpu.SemaphoreType.DMA,
            pltpu.SemaphoreType.DMA,
            pltpu.SemaphoreType.DMA,
            pltpu.SemaphoreType.DMA,
        ],
    )(_body)
    _, out3 = k(b_col, y_col, x_col, feat_pad)
    return out3.reshape(CAV, F, NY, NX)


def kernel(voxel_coords, pillar_features):
    npad = NPAD - NPIL
    ar = jnp.arange(npad, dtype=jnp.int32)
    b_col = jnp.concatenate(
        [voxel_coords[:, 0], jnp.full((npad,), CAV, jnp.int32)])
    y_col = jnp.concatenate([voxel_coords[:, 2], ar // NX])
    x_col = jnp.concatenate([voxel_coords[:, 3], ar % NX])
    feat_pad = jnp.concatenate(
        [pillar_features, jnp.zeros((npad, F), jnp.float32)], axis=0)
    feat_pad = jnp.concatenate(
        [feat_pad, jnp.zeros((NPAD, 128 - F), jnp.float32)], axis=1)
    return _run(b_col.astype(jnp.int32), y_col.astype(jnp.int32),
                x_col.astype(jnp.int32), feat_pad)

# --- scband reference (transcript-rebuilt; emitter-appended) ---
"""Pipeline reference for scband-point-pillar-scatter-4715874091016 (READ-ONLY COPY).

The authoritative reference and input builder live on the scoring server;
editing this copy changes nothing except your own understanding.
"""

import jax, jax.numpy as jnp
import numpy as np

NUM_BEV_FEATURES = 64
MAX_CAV = 5
NY = 504
NX = 504
NZ = 1
NUM_PIXELS = NY * NX
NUM_PILLARS = 40000


def setup_inputs(seed: int = 0) -> dict:
    key = jax.random.key(seed)
    k1, k2 = jax.random.split(key)
    # Sample unique flat slots (scatter-overwrite with duplicate indices is
    # order-undefined in both torch and jax; real pillar coords are unique).
    flat = jax.random.choice(k1, MAX_CAV * NUM_PIXELS, shape=(NUM_PILLARS,), replace=False)
    b = flat // NUM_PIXELS
    rem = flat % NUM_PIXELS
    y = rem // NX
    x = rem % NX
    voxel_coords = jnp.stack([b, jnp.zeros_like(b), y, x], axis=1).astype(jnp.int32)
    pillar_features = jax.random.normal(k2, (NUM_PILLARS, NUM_BEV_FEATURES), dtype=jnp.float32)
    return {"voxel_coords": voxel_coords, "pillar_features": pillar_features}


def reference(voxel_coords, pillar_features):
    # indices = batch_idx * (ny*nx) + y * nx + x
    b = voxel_coords[:, 0].astype(jnp.int32)
    y = voxel_coords[:, 2].astype(jnp.int32)
    x = voxel_coords[:, 3].astype(jnp.int32)
    indices = b * NUM_PIXELS + y * NX + x
    canvas = jnp.zeros((NUM_BEV_FEATURES, MAX_CAV * NUM_PIXELS), dtype=pillar_features.dtype)
    # scatter-overwrite: canvas[:, indices] = pillar_features.T
    canvas = canvas.at[:, indices].set(pillar_features.T)
    batch_spatial_features = canvas.reshape(NUM_BEV_FEATURES, MAX_CAV, NY, NX)
    batch_spatial_features = jnp.transpose(batch_spatial_features, (1, 0, 2, 3))
    return batch_spatial_features

if __name__ == "__main__":
    import jax
    _d = setup_inputs()
    print(jax.jit(kernel)(*tuple(_d.values())))

</pallas_src>

<mosaic_0001>
#map = affine_map<(d0, d1) -> (0)>
#map1 = affine_map<(d0, d1) -> (0, 0)>
module attributes {stable_mosaic.version = 14 : i64} {
  func.func @_body(%arg0: i32, %arg1: i32, %arg2: memref<40960xi32, #tpu.memory_space<hbm>>, %arg3: memref<40960xi32, #tpu.memory_space<hbm>>, %arg4: memref<40960xi32, #tpu.memory_space<hbm>>, %arg5: memref<40960x128xf32, #tpu.memory_space<hbm>>, %arg6: memref<2543616xi32, #tpu.memory_space<hbm>>, %arg7: memref<81285120xf32, #tpu.memory_space<hbm>>, %arg8: memref<19872xi32, #tpu.memory_space<vmem>>, %arg9: memref<2560xi32, #tpu.memory_space<vmem>>, %arg10: memref<2560xi32, #tpu.memory_space<vmem>>, %arg11: memref<2560xi32, #tpu.memory_space<vmem>>, %arg12: memref<2560xi32, #tpu.memory_space<vmem>>, %arg13: memref<20x128xi32, #tpu.memory_space<vmem>>, %arg14: memref<128xi32, #tpu.memory_space<vmem>>, %arg15: memref<4032xi32, #tpu.memory_space<vmem>>, %arg16: memref<4096xi32, #tpu.memory_space<vmem>>, %arg17: memref<4096xi32, #tpu.memory_space<vmem>>, %arg18: memref<128x128xf32, #tpu.memory_space<vmem>>, %arg19: memref<32256xf32, #tpu.memory_space<vmem>>, %arg20: memref<32256xf32, #tpu.memory_space<vmem>>, %arg21: memref<!tpu.dma_semaphore, #tpu.memory_space<semaphore_mem>>, %arg22: memref<!tpu.dma_semaphore, #tpu.memory_space<semaphore_mem>>, %arg23: memref<!tpu.dma_semaphore, #tpu.memory_space<semaphore_mem>>, %arg24: memref<!tpu.dma_semaphore, #tpu.memory_space<semaphore_mem>>, %arg25: memref<!tpu.dma_semaphore, #tpu.memory_space<semaphore_mem>>) attributes {dimension_semantics = [#tpu.dimension_semantics<core_parallel>, #tpu.dimension_semantics<subcore_parallel>], iteration_bounds = array<i64: 2, 16>, scalar_prefetch = 0 : i64, scratch_operands = 18 : i64, tpu.core_type = #tpu.core_type<sc_vector_subcore>, window_params = [{transform_indices = #map}, {transform_indices = #map}, {transform_indices = #map}, {transform_indices = #map1}, {transform_indices = #map}, {transform_indices = #map}]} {
    %mul3A = arith.constant 2 : i32
    %mul3A_0 = arith.muli %arg1, %mul3A : i32
    %add3A = arith.addi %mul3A_0, %arg0 : i32
    %iota3A = tpu.iota {dimensions = array<i32: 0>} : vector<16xi32>
    %broadcast_in_dim3A = arith.constant -1 : i32
    %broadcast_in_dim3A_1 = vector.broadcast %broadcast_in_dim3A : i32 to vector<16xi32>
    %broadcast_in_dim3A_2 = arith.constant 0.000000e+00 : f32
    %broadcast_in_dim3A_3 = vector.broadcast %broadcast_in_dim3A_2 : f32 to vector<16xf32>
    %broadcast_in_dim3A_4 = arith.constant 0 : i32
    %broadcast_in_dim3A_5 = vector.broadcast %broadcast_in_dim3A_4 : i32 to vector<16xi32>
    %broadcast_in_dim3A_6 = arith.constant 1 : i32
    %broadcast_in_dim3A_7 = vector.broadcast %broadcast_in_dim3A_6 : i32 to vector<16xi32>
    %scan3A = arith.constant 0 : i32
    %scan3A_8 = arith.constant 0 : i32
    %scan3A_9 = arith.constant 1242 : i32
    %scan3A_10 = arith.addi %scan3A_8, %scan3A_9 : i32
    %scan3A_11 = arith.constant 1 : i32
    scf.for %scan3A_403 = %scan3A_8 to %scan3A_10 step %scan3A_11  : i32 {
      %mul3A_404 = arith.constant 16 : i32
      %mul3A_405 = arith.muli %scan3A_403, %mul3A_404 : i32
      %swap3A = arith.index_cast %mul3A_405 : i32 to index
      %swap3A_406 = tpu.vector_load %arg8[%swap3A] {strides = array<i32>} : memref<19872xi32, #tpu.memory_space<vmem>>, vector<16xi32>,
      tpu.vector_store %arg8[%swap3A], %broadcast_in_dim3A_1 {strides = array<i32>} : memref<19872xi32, #tpu.memory_space<vmem>>, vector<16xi32>,
    }
    %scan3A_12 = arith.constant 1242 : i32
    %mul3A_13 = arith.constant 1271808 : i32
    %mul3A_14 = arith.muli %arg0, %mul3A_13 : i32
    %mul3A_15 = arith.constant 79488 : i32
    %mul3A_16 = arith.muli %arg1, %mul3A_15 : i32
    %add3A_17 = arith.addi %mul3A_14, %mul3A_16 : i32
    %add3A_18 = arith.constant 0 : i32
    %add3A_19 = arith.addi %add3A_17, %add3A_18 : i32
    %dma_start3A = tpu.memref_slice %arg6[%add3A_19] : memref<2543616xi32, #tpu.memory_space<hbm>> -> memref<19872xi32, #tpu.memory_space<hbm>>
    %dma_start3A_20 = tpu.memref_slice %arg6[%add3A_19] : memref<2543616xi32, #tpu.memory_space<hbm>> -> memref<19872xi32, #tpu.memory_space<hbm>>
    tpu.enqueue_dma source(%arg8 : memref<19872xi32, #tpu.memory_space<vmem>>) target(%dma_start3A_20 : memref<19872xi32, #tpu.memory_space<hbm>>) target_semaphore(%arg21 : memref<!tpu.dma_semaphore, #tpu.memory_space<semaphore_mem>>)
    %mul3A_21 = arith.constant 79488 : i32
    %mul3A_22 = arith.muli %arg1, %mul3A_21 : i32
    %add3A_23 = arith.addi %mul3A_14, %mul3A_22 : i32
    %add3A_24 = arith.constant 19872 : i32
    %add3A_25 = arith.addi %add3A_23, %add3A_24 : i32
    %dma_start3A_26 = tpu.memref_slice %arg6[%add3A_25] : memref<2543616xi32, #tpu.memory_space<hbm>> -> memref<19872xi32, #tpu.memory_space<hbm>>
    %dma_start3A_27 = tpu.memref_slice %arg6[%add3A_25] : memref<2543616xi32, #tpu.memory_space<hbm>> -> memref<19872xi32, #tpu.memory_space<hbm>>
    tpu.enqueue_dma source(%arg8 : memref<19872xi32, #tpu.memory_space<vmem>>) target(%dma_start3A_27 : memref<19872xi32, #tpu.memory_space<hbm>>) target_semaphore(%arg21 : memref<!tpu.dma_semaphore, #tpu.memory_space<semaphore_mem>>)
    %mul3A_28 = arith.constant 79488 : i32
    %mul3A_29 = arith.muli %arg1, %mul3A_28 : i32
    %add3A_30 = arith.addi %mul3A_14, %mul3A_29 : i32
    %add3A_31 = arith.constant 39744 : i32
    %add3A_32 = arith.addi %add3A_30, %add3A_31 : i32
    %dma_start3A_33 = tpu.memref_slice %arg6[%add3A_32] : memref<2543616xi32, #tpu.memory_space<hbm>> -> memref<19872xi32, #tpu.memory_space<hbm>>
    %dma_start3A_34 = tpu.memref_slice %arg6[%add3A_32] : memref<2543616xi32, #tpu.memory_space<hbm>> -> memref<19872xi32, #tpu.memory_space<hbm>>
    tpu.enqueue_dma source(%arg8 : memref<19872xi32, #tpu.memory_space<vmem>>) target(%dma_start3A_34 : memref<19872xi32, #tpu.memory_space<hbm>>) target_semaphore(%arg21 : memref<!tpu.dma_semaphore, #tpu.memory_space<semaphore_mem>>)
    %mul3A_35 = arith.constant 79488 : i32
    %mul3A_36 = arith.muli %arg1, %mul3A_35 : i32
    %add3A_37 = arith.addi %mul3A_14, %mul3A_36 : i32
    %add3A_38 = arith.constant 59616 : i32
    %add3A_39 = arith.addi %add3A_37, %add3A_38 : i32
    %dma_start3A_40 = tpu.memref_slice %arg6[%add3A_39] : memref<2543616xi32, #tpu.memory_space<hbm>> -> memref<19872xi32, #tpu.memory_space<hbm>>
    %dma_start3A_41 = tpu.memref_slice %arg6[%add3A_39] : memref<2543616xi32, #tpu.memory_space<hbm>> -> memref<19872xi32, #tpu.memory_space<hbm>>
    tpu.enqueue_dma source(%arg8 : memref<19872xi32, #tpu.memory_space<vmem>>) target(%dma_start3A_41 : memref<19872xi32, #tpu.memory_space<hbm>>) target_semaphore(%arg21 : memref<!tpu.dma_semaphore, #tpu.memory_space<semaphore_mem>>)
    %scan3A_42 = arith.constant 0 : i32
    %scan3A_43 = arith.constant 0 : i32
    %scan3A_44 = arith.constant 2016 : i32
    %scan3A_45 = arith.addi %scan3A_43, %scan3A_44 : i32
    %scan3A_46 = arith.constant 1 : i32
    scf.for %scan3A_403 = %scan3A_43 to %scan3A_45 step %scan3A_46  : i32 {
      %mul3A_404 = arith.constant 16 : i32
      %mul3A_405 = arith.muli %scan3A_403, %mul3A_404 : i32
      %swap3A = arith.index_cast %mul3A_405 : i32 to index
      %swap3A_406 = tpu.vector_load %arg19[%swap3A] {strides = array<i32>} : memref<32256xf32, #tpu.memory_space<vmem>>, vector<16xf32>,
      tpu.vector_store %arg19[%swap3A], %broadcast_in_dim3A_3 {strides = array<i32>} : memref<32256xf32, #tpu.memory_space<vmem>>, vector<16xf32>,
    }
    %scan3A_47 = arith.constant 2016 : i32
    %scan3A_48 = arith.constant 0 : i32
    %scan3A_49 = arith.constant 0 : i32
    %scan3A_50 = arith.constant 2016 : i32
    %scan3A_51 = arith.addi %scan3A_49, %scan3A_50 : i32
    %scan3A_52 = arith.constant 1 : i32
    scf.for %scan3A_403 = %scan3A_49 to %scan3A_51 step %scan3A_52  : i32 {
      %mul3A_404 = arith.constant 16 : i32
      %mul3A_405 = arith.muli %scan3A_403, %mul3A_404 : i32
      %swap3A = arith.index_cast %mul3A_405 : i32 to index
      %swap3A_406 = tpu.vector_load %arg20[%swap3A] {strides = array<i32>} : memref<32256xf32, #tpu.memory_space<vmem>>, vector<16xf32>,
      tpu.vector_store %arg20[%swap3A], %broadcast_in_dim3A_3 {strides = array<i32>} : memref<32256xf32, #tpu.memory_space<vmem>>, vector<16xf32>,
    }
    %scan3A_53 = arith.constant 2016 : i32
    %scan3A_54 = arith.constant 0 : i32
    %scan3A_55 = arith.constant 0 : i32
    %scan3A_56 = arith.constant 256 : i32
    %scan3A_57 = arith.addi %scan3A_55, %scan3A_56 : i32
    %scan3A_58 = arith.constant 1 : i32
    scf.for %scan3A_403 = %scan3A_55 to %scan3A_57 step %scan3A_58  : i32 {
      %mul3A_404 = arith.constant 16 : i32
      %mul3A_405 = arith.muli %scan3A_403, %mul3A_404 : i32
      %swap3A = arith.index_cast %mul3A_405 : i32 to index
      %swap3A_406 = tpu.vector_load %arg16[%swap3A] {strides = array<i32>} : memref<4096xi32, #tpu.memory_space<vmem>>, vector<16xi32>,
      tpu.vector_store %arg16[%swap3A], %broadcast_in_dim3A_5 {strides = array<i32>} : memref<4096xi32, #tpu.memory_space<vmem>>, vector<16xi32>,
      %swap3A_407 = arith.index_cast %mul3A_405 : i32 to index
      %swap3A_408 = tpu.vector_load %arg17[%swap3A_407] {strides = array<i32>} : memref<4096xi32, #tpu.memory_space<vmem>>, vector<16xi32>,
      tpu.vector_store %arg17[%swap3A_407], %broadcast_in_dim3A_5 {strides = array<i32>} : memref<4096xi32, #tpu.memory_space<vmem>>, vector<16xi32>,
    }
    %scan3A_59 = arith.constant 256 : i32
    %mul3A_60 = arith.constant 2560 : i32
    %mul3A_61 = arith.muli %arg1, %mul3A_60 : i32
    "tpu.region"() ({
      %run_scoped3A = tpu.sem_alloc : memref<!tpu.dma_semaphore, #tpu.memory_space<semaphore_mem>>
      %dma_start3A_403 = tpu.memref_slice %arg2[%mul3A_61] : memref<40960xi32, #tpu.memory_space<hbm>> -> memref<2560xi32, #tpu.memory_space<hbm>>
      %dma_start3A_404 = tpu.memref_slice %arg2[%mul3A_61] : memref<40960xi32, #tpu.memory_space<hbm>> -> memref<2560xi32, #tpu.memory_space<hbm>>
      tpu.enqueue_dma source(%dma_start3A_404 : memref<2560xi32, #tpu.memory_space<hbm>>) target(%arg9 : memref<2560xi32, #tpu.memory_space<vmem>>) target_semaphore(%run_scoped3A : memref<!tpu.dma_semaphore, #tpu.memory_space<semaphore_mem>>)
      %dma_wait3A_405 = tpu.memref_slice %arg2[%mul3A_61] : memref<40960xi32, #tpu.memory_space<hbm>> -> memref<2560xi32, #tpu.memory_space<hbm>>
      %dma_wait3A_406 = tpu.memref_slice %arg2[%mul3A_61] : memref<40960xi32, #tpu.memory_space<hbm>> -> memref<2560xi32, #tpu.memory_space<hbm>>
      tpu.wait_dma2 semaphore(%run_scoped3A : memref<!tpu.dma_semaphore, #tpu.memory_space<semaphore_mem>>) src(%dma_wait3A_406 : memref<2560xi32, #tpu.memory_space<hbm>>) dst(%arg9 : memref<2560xi32, #tpu.memory_space<vmem>>)
      tpu.yield
    }) : () -> ()
    "tpu.region"() ({
      %run_scoped3A = tpu.sem_alloc : memref<!tpu.dma_semaphore, #tpu.memory_space<semaphore_mem>>
      %dma_start3A_403 = tpu.memref_slice %arg3[%mul3A_61] : memref<40960xi32, #tpu.memory_space<hbm>> -> memref<2560xi32, #tpu.memory_space<hbm>>
      %dma_start3A_404 = tpu.memref_slice %arg3[%mul3A_61] : memref<40960xi32, #tpu.memory_space<hbm>> -> memref<2560xi32, #tpu.memory_space<hbm>>
      tpu.enqueue_dma source(%dma_start3A_404 : memref<2560xi32, #tpu.memory_space<hbm>>) target(%arg10 : memref<2560xi32, #tpu.memory_space<vmem>>) target_semaphore(%run_scoped3A : memref<!tpu.dma_semaphore, #tpu.memory_space<semaphore_mem>>)
      %dma_wait3A_405 = tpu.memref_slice %arg3[%mul3A_61] : memref<40960xi32, #tpu.memory_space<hbm>> -> memref<2560xi32, #tpu.memory_space<hbm>>
      %dma_wait3A_406 = tpu.memref_slice %arg3[%mul3A_61] : memref<40960xi32, #tpu.memory_space<hbm>> -> memref<2560xi32, #tpu.memory_space<hbm>>
      tpu.wait_dma2 semaphore(%run_scoped3A : memref<!tpu.dma_semaphore, #tpu.memory_space<semaphore_mem>>) src(%dma_wait3A_406 : memref<2560xi32, #tpu.memory_space<hbm>>) dst(%arg10 : memref<2560xi32, #tpu.memory_space<vmem>>)
      tpu.yield
    }) : () -> ()
    "tpu.region"() ({
      %run_scoped3A = tpu.sem_alloc : memref<!tpu.dma_semaphore, #tpu.memory_space<semaphore_mem>>
      %dma_start3A_403 = tpu.memref_slice %arg4[%mul3A_61] : memref<40960xi32, #tpu.memory_space<hbm>> -> memref<2560xi32, #tpu.memory_space<hbm>>
      %dma_start3A_404 = tpu.memref_slice %arg4[%mul3A_61] : memref<40960xi32, #tpu.memory_space<hbm>> -> memref<2560xi32, #tpu.memory_space<hbm>>
      tpu.enqueue_dma source(%dma_start3A_404 : memref<2560xi32, #tpu.memory_space<hbm>>) target(%arg11 : memref<2560xi32, #tpu.memory_space<vmem>>) target_semaphore(%run_scoped3A : memref<!tpu.dma_semaphore, #tpu.memory_space<semaphore_mem>>)
      %dma_wait3A_405 = tpu.memref_slice %arg4[%mul3A_61] : memref<40960xi32, #tpu.memory_space<hbm>> -> memref<2560xi32, #tpu.memory_space<hbm>>
      %dma_wait3A_406 = tpu.memref_slice %arg4[%mul3A_61] : memref<40960xi32, #tpu.memory_space<hbm>> -> memref<2560xi32, #tpu.memory_space<hbm>>
      tpu.wait_dma2 semaphore(%run_scoped3A : memref<!tpu.dma_semaphore, #tpu.memory_space<semaphore_mem>>) src(%dma_wait3A_406 : memref<2560xi32, #tpu.memory_space<hbm>>) dst(%arg11 : memref<2560xi32, #tpu.memory_space<vmem>>)
      tpu.yield
    }) : () -> ()
    %scan3A_62 = arith.constant 0 : i32
    %scan3A_63 = arith.constant 0 : i32
    %scan3A_64 = arith.constant 160 : i32
    %scan3A_65 = arith.addi %scan3A_63, %scan3A_64 : i32
    %scan3A_66 = arith.constant 1 : i32
    scf.for %scan3A_403 = %scan3A_63 to %scan3A_65 step %scan3A_66  : i32 {
      %mul3A_404 = arith.constant 16 : i32
      %mul3A_405 = arith.muli %scan3A_403, %mul3A_404 : i32
      %get3A = arith.index_cast %mul3A_405 : i32 to index
      %get3A_406 = tpu.vector_load %arg9[%get3A] {strides = array<i32>} : memref<2560xi32, #tpu.memory_space<vmem>>, vector<16xi32>,
      %mul3A_407 = arith.constant 254016 : i32
      %mul3A_408 = vector.broadcast %mul3A_407 : i32 to vector<16xi32>
      %mul3A_409 = arith.muli %get3A_406, %mul3A_408 : vector<16xi32>
      %add3A_410 = vector.broadcast %mul3A_14 : i32 to vector<16xi32>
      %add3A_411 = arith.addi %add3A_410, %mul3A_409 : vector<16xi32>
      %get3A_412 = arith.index_cast %mul3A_405 : i32 to index
      %get3A_413 = tpu.vector_load %arg10[%get3A_412] {strides = array<i32>} : memref<2560xi32, #tpu.memory_space<vmem>>, vector<16xi32>,
      %mul3A_414 = arith.constant 504 : i32
      %mul3A_415 = vector.broadcast %mul3A_414 : i32 to vector<16xi32>
      %mul3A_416 = arith.muli %get3A_413, %mul3A_415 : vector<16xi32>
      %add3A_417 = arith.addi %add3A_411, %mul3A_416 : vector<16xi32>
      %get3A_418 = arith.index_cast %mul3A_405 : i32 to index
      %get3A_419 = tpu.vector_load %arg11[%get3A_418] {strides = array<i32>} : memref<2560xi32, #tpu.memory_space<vmem>>, vector<16xi32>,
      %add3A_420 = arith.addi %add3A_417, %get3A_419 : vector<16xi32>
      %jit3A = arith.constant 8 : i32
      %div3A = arith.divsi %scan3A_403, %jit3A : i32
      %sign3A = arith.constant 0 : i32
      %sign3A_421 = arith.cmpi sgt, %scan3A_403, %sign3A : i32
      %sign3A_422 = arith.extui %sign3A_421 : i1 to i32
      %sign3A_423 = arith.constant 0 : i32
      %sign3A_424 = arith.cmpi slt, %scan3A_403, %sign3A_423 : i32
      %sign3A_425 = arith.extui %sign3A_424 : i1 to i32
      %sign3A_426 = arith.subi %sign3A_422, %sign3A_425 : i32
      %sign3A_427 = arith.constant 0 : i32
      %sign3A_428 = arith.cmpi sgt, %jit3A, %sign3A_427 : i32
      %sign3A_429 = arith.extui %sign3A_428 : i1 to i32
      %sign3A_430 = arith.constant 0 : i32
      %sign3A_431 = arith.cmpi slt, %jit3A, %sign3A_430 : i32
      %sign3A_432 = arith.extui %sign3A_431 : i1 to i32
      %sign3A_433 = arith.subi %sign3A_429, %sign3A_432 : i32
      %ne3A = arith.cmpi ne, %sign3A_426, %sign3A_433 : i32
      %rem3A = arith.remsi %scan3A_403, %jit3A : i32
      %ne3A_434 = arith.constant 0 : i32
      %ne3A_435 = arith.cmpi ne, %rem3A, %ne3A_434 : i32
      %and3A = arith.andi %ne3A, %ne3A_435 : i1
      %sub3A = arith.constant 1 : i32
      %sub3A_436 = arith.subi %div3A, %sub3A : i32
      %select_n3A = arith.select %and3A, %sub3A_436, %div3A : i32
      %jit3A_437 = arith.constant 8 : i32
      %eq3A = arith.constant 0 : i32
      %eq3A_438 = arith.cmpi eq, %jit3A_437, %eq3A : i32
      %jit3A_439 = arith.constant 1 : i32
      %select_n3A_440 = arith.select %eq3A_438, %jit3A_439, %jit3A_437 : i32
      %rem3A_441 = arith.remsi %scan3A_403, %select_n3A_440 : i32
      %ne3A_442 = arith.constant 0 : i32
      %ne3A_443 = arith.cmpi ne, %rem3A_441, %ne3A_442 : i32
      %lt3A = arith.constant 0 : i32
      %lt3A_444 = arith.cmpi slt, %rem3A_441, %lt3A : i32
      %lt3A_445 = arith.constant 0 : i32
      %lt3A_446 = arith.cmpi slt, %select_n3A_440, %lt3A_445 : i32
      %ne3A_447 = arith.xori %lt3A_444, %lt3A_446 : i1
      %and3A_448 = arith.andi %ne3A_447, %ne3A_443 : i1
      %add3A_449 = arith.addi %rem3A_441, %select_n3A_440 : i32
      %select_n3A_450 = arith.select %and3A_448, %add3A_449, %rem3A_441 : i32
      %mul3A_451 = arith.constant 16 : i32
      %mul3A_452 = arith.muli %select_n3A_450, %mul3A_451 : i32
      %swap3A = arith.index_cast %select_n3A : i32 to index
      %swap3A_453 = arith.index_cast %mul3A_452 : i32 to index
      %swap3A_454 = tpu.vector_load %arg13[%swap3A, %swap3A_453] {strides = array<i32>} : memref<20x128xi32, #tpu.memory_space<vmem>>, vector<16xi32>,
      tpu.vector_store %arg13[%swap3A, %swap3A_453], %add3A_420 {strides = array<i32>} : memref<20x128xi32, #tpu.memory_space<vmem>>, vector<16xi32>,
      %mul3A_455 = arith.constant 16 : i32
      %mul3A_456 = arith.muli %scan3A_403, %mul3A_455 : i32
      %add3A_457 = arith.addi %mul3A_61, %mul3A_456 : i32
      %add3A_458 = vector.broadcast %add3A_457 : i32 to vector<16xi32>
      %add3A_459 = arith.addi %add3A_458, %iota3A : vector<16xi32>
      %swap3A_460 = arith.index_cast %mul3A_405 : i32 to index
      %swap3A_461 = tpu.vector_load %arg12[%swap3A_460] {strides = array<i32>} : memref<2560xi32, #tpu.memory_space<vmem>>, vector<16xi32>,
      tpu.vector_store %arg12[%swap3A_460], %add3A_459 {strides = array<i32>} : memref<2560xi32, #tpu.memory_space<vmem>>, vector<16xi32>,
    }
    %scan3A_67 = arith.constant 160 : i32
    %dma_wait3A = tpu.memref_slice %arg6[%add3A_19] : memref<2543616xi32, #tpu.memory_space<hbm>> -> memref<19872xi32, #tpu.memory_space<hbm>>
    %dma_wait3A_68 = tpu.memref_slice %arg6[%add3A_19] : memref<2543616xi32, #tpu.memory_space<hbm>> -> memref<19872xi32, #tpu.memory_space<hbm>>
    tpu.wait_dma2 semaphore(%arg21 : memref<!tpu.dma_semaphore, #tpu.memory_space<semaphore_mem>>) src(%arg8 : memref<19872xi32, #tpu.memory_space<vmem>>) dst(%dma_wait3A_68 : memref<19872xi32, #tpu.memory_space<hbm>>)
    %dma_wait3A_69 = tpu.memref_slice %arg6[%add3A_25] : memref<2543616xi32, #tpu.memory_space<hbm>> -> memref<19872xi32, #tpu.memory_space<hbm>>
    %dma_wait3A_70 = tpu.memref_slice %arg6[%add3A_25] : memref<2543616xi32, #tpu.memory_space<hbm>> -> memref<19872xi32, #tpu.memory_space<hbm>>
    tpu.wait_dma2 semaphore(%arg21 : memref<!tpu.dma_semaphore, #tpu.memory_space<semaphore_mem>>) src(%arg8 : memref<19872xi32, #tpu.memory_space<vmem>>) dst(%dma_wait3A_70 : memref<19872xi32, #tpu.memory_space<hbm>>)
    %dma_wait3A_71 = tpu.memref_slice %arg6[%add3A_32] : memref<2543616xi32, #tpu.memory_space<hbm>> -> memref<19872xi32, #tpu.memory_space<hbm>>
    %dma_wait3A_72 = tpu.memref_slice %arg6[%add3A_32] : memref<2543616xi32, #tpu.memory_space<hbm>> -> memref<19872xi32, #tpu.memory_space<hbm>>
    tpu.wait_dma2 semaphore(%arg21 : memref<!tpu.dma_semaphore, #tpu.memory_space<semaphore_mem>>) src(%arg8 : memref<19872xi32, #tpu.memory_space<vmem>>) dst(%dma_wait3A_72 : memref<19872xi32, #tpu.memory_space<hbm>>)
    %dma_wait3A_73 = tpu.memref_slice %arg6[%add3A_39] : memref<2543616xi32, #tpu.memory_space<hbm>> -> memref<19872xi32, #tpu.memory_space<hbm>>
    %dma_wait3A_74 = tpu.memref_slice %arg6[%add3A_39] : memref<2543616xi32, #tpu.memory_space<hbm>> -> memref<19872xi32, #tpu.memory_space<hbm>>
    tpu.wait_dma2 semaphore(%arg21 : memref<!tpu.dma_semaphore, #tpu.memory_space<semaphore_mem>>) src(%arg8 : memref<19872xi32, #tpu.memory_space<vmem>>) dst(%dma_wait3A_74 : memref<19872xi32, #tpu.memory_space<hbm>>)
    %barrier3A = arith.constant 0 : index
    tpu.barrier barrier_id(%barrier3A)
    %dma_start3A_75 = arith.constant 0 : i32
    %dma_start3A_76 = arith.constant 0 : i32
    %dma_start3A_77 = tpu.memref_slice %arg12[%dma_start3A_76] : memref<2560xi32, #tpu.memory_space<vmem>> -> memref<128xi32, #tpu.memory_space<vmem>>
    %dma_start3A_78 = arith.constant 0 : i32
    %dma_start3A_79 = tpu.memref_slice %arg13[%dma_start3A_75, %dma_start3A_78] : memref<20x128xi32, #tpu.memory_space<vmem>> -> memref<1x128xi32, #tpu.memory_space<vmem>>
    %dma_start3A_80 = tpu.memref_squeeze %dma_start3A_79 : memref<1x128xi32, #tpu.memory_space<vmem>> -> memref<128xi32, #tpu.memory_space<vmem>>
    %dma_start3A_81 = arith.constant 0 : i32
    %dma_start3A_82 = tpu.memref_slice %arg6[%dma_start3A_81] : memref<2543616xi32, #tpu.memory_space<hbm>> -> memref<2543616xi32, #tpu.memory_space<hbm>>
    tpu.enqueue_indirect_dma source(%dma_start3A_77 : memref<128xi32, #tpu.memory_space<vmem>>) target(%dma_start3A_82 : memref<2543616xi32, #tpu.memory_space<hbm>>) offsets(%dma_start3A_80 : memref<128xi32, #tpu.memory_space<vmem>>) semaphore(%arg22 : memref<!tpu.dma_semaphore, #tpu.memory_space<semaphore_mem>>)
    %dma_start3A_83 = arith.constant 1 : i32
    %dma_start3A_84 = arith.constant 128 : i32
    %dma_start3A_85 = tpu.memref_slice %arg12[%dma_start3A_84] : memref<2560xi32, #tpu.memory_space<vmem>> -> memref<128xi32, #tpu.memory_space<vmem>>
    %dma_start3A_86 = arith.constant 0 : i32
    %dma_start3A_87 = tpu.memref_slice %arg13[%dma_start3A_83, %dma_start3A_86] : memref<20x128xi32, #tpu.memory_space<vmem>> -> memref<1x128xi32, #tpu.memory_space<vmem>>
    %dma_start3A_88 = tpu.memref_squeeze %dma_start3A_87 : memref<1x128xi32, #tpu.memory_space<vmem>> -> memref<128xi32, #tpu.memory_space<vmem>>
    %dma_start3A_89 = arith.constant 0 : i32
    %dma_start3A_90 = tpu.memref_slice %arg6[%dma_start3A_89] : memref<2543616xi32, #tpu.memory_space<hbm>> -> memref<2543616xi32, #tpu.memory_space<hbm>>
    tpu.enqueue_indirect_dma source(%dma_start3A_85 : memref<128xi32, #tpu.memory_space<vmem>>) target(%dma_start3A_90 : memref<2543616xi32, #tpu.memory_space<hbm>>) offsets(%dma_start3A_88 : memref<128xi32, #tpu.memory_space<vmem>>) semaphore(%arg22 : memref<!tpu.dma_semaphore, #tpu.memory_space<semaphore_mem>>)
    %dma_start3A_91 = arith.constant 2 : i32
    %dma_start3A_92 = arith.constant 256 : i32
    %dma_start3A_93 = tpu.memref_slice %arg12[%dma_start3A_92] : memref<2560xi32, #tpu.memory_space<vmem>> -> memref<128xi32, #tpu.memory_space<vmem>>
    %dma_start3A_94 = arith.constant 0 : i32
    %dma_start3A_95 = tpu.memref_slice %arg13[%dma_start3A_91, %dma_start3A_94] : memref<20x128xi32, #tpu.memory_space<vmem>> -> memref<1x128xi32, #tpu.memory_space<vmem>>
    %dma_start3A_96 = tpu.memref_squeeze %dma_start3A_95 : memref<1x128xi32, #tpu.memory_space<vmem>> -> memref<128xi32, #tpu.memory_space<vmem>>
    %dma_start3A_97 = arith.constant 0 : i32
    %dma_start3A_98 = tpu.memref_slice %arg6[%dma_start3A_97] : memref<2543616xi32, #tpu.memory_space<hbm>> -> memref<2543616xi32, #tpu.memory_space<hbm>>
    tpu.enqueue_indirect_dma source(%dma_start3A_93 : memref<128xi32, #tpu.memory_space<vmem>>) target(%dma_start3A_98 : memref<2543616xi32, #tpu.memory_space<hbm>>) offsets(%dma_start3A_96 : memref<128xi32, #tpu.memory_space<vmem>>) semaphore(%arg22 : memref<!tpu.dma_semaphore, #tpu.memory_space<semaphore_mem>>)
    %dma_start3A_99 = arith.constant 3 : i32
    %dma_start3A_100 = arith.constant 384 : i32
    %dma_start3A_101 = tpu.memref_slice %arg12[%dma_start3A_100] : memref<2560xi32, #tpu.memory_space<vmem>> -> memref<128xi32, #tpu.memory_space<vmem>>
    %dma_start3A_102 = arith.constant 0 : i32
    %dma_start3A_103 = tpu.memref_slice %arg13[%dma_start3A_99, %dma_start3A_102] : memref<20x128xi32, #tpu.memory_space<vmem>> -> memref<1x128xi32, #tpu.memory_space<vmem>>
    %dma_start3A_104 = tpu.memref_squeeze %dma_start3A_103 : memref<1x128xi32, #tpu.memory_space<vmem>> -> memref<128xi32, #tpu.memory_space<vmem>>
    %dma_start3A_105 = arith.constant 0 : i32
    %dma_start3A_106 = tpu.memref_slice %arg6[%dma_start3A_105] : memref<2543616xi32, #tpu.memory_space<hbm>> -> memref<2543616xi32, #tpu.memory_space<hbm>>
    tpu.enqueue_indirect_dma source(%dma_start3A_101 : memref<128xi32, #tpu.memory_space<vmem>>) target(%dma_start3A_106 : memref<2543616xi32, #tpu.memory_space<hbm>>) offsets(%dma_start3A_104 : memref<128xi32, #tpu.memory_space<vmem>>) semaphore(%arg22 : memref<!tpu.dma_semaphore, #tpu.memory_space<semaphore_mem>>)
    %dma_start3A_107 = arith.constant 4 : i32
    %dma_start3A_108 = arith.constant 512 : i32
    %dma_start3A_109 = tpu.memref_slice %arg12[%dma_start3A_108] : memref<2560xi32, #tpu.memory_space<vmem>> -> memref<128xi32, #tpu.memory_space<vmem>>
    %dma_start3A_110 = arith.constant 0 : i32
    %dma_start3A_111 = tpu.memref_slice %arg13[%dma_start3A_107, %dma_start3A_110] : memref<20x128xi32, #tpu.memory_space<vmem>> -> memref<1x128xi32, #tpu.memory_space<vmem>>
    %dma_start3A_112 = tpu.memref_squeeze %dma_start3A_111 : memref<1x128xi32, #tpu.memory_space<vmem>> -> memref<128xi32, #tpu.memory_space<vmem>>
    %dma_start3A_113 = arith.constant 0 : i32
    %dma_start3A_114 = tpu.memref_slice %arg6[%dma_start3A_113] : memref<2543616xi32, #tpu.memory_space<hbm>> -> memref<2543616xi32, #tpu.memory_space<hbm>>
    tpu.enqueue_indirect_dma source(%dma_start3A_109 : memref<128xi32, #tpu.memory_space<vmem>>) target(%dma_start3A_114 : memref<2543616xi32, #tpu.memory_space<hbm>>) offsets(%dma_start3A_112 : memref<128xi32, #tpu.memory_space<vmem>>) semaphore(%arg22 : memref<!tpu.dma_semaphore, #tpu.memory_space<semaphore_mem>>)
    %dma_start3A_115 = arith.constant 5 : i32
    %dma_start3A_116 = arith.constant 640 : i32
    %dma_start3A_117 = tpu.memref_slice %arg12[%dma_start3A_116] : memref<2560xi32, #tpu.memory_space<vmem>> -> memref<128xi32, #tpu.memory_space<vmem>>
    %dma_start3A_118 = arith.constant 0 : i32
    %dma_start3A_119 = tpu.memref_slice %arg13[%dma_start3A_115, %dma_start3A_118] : memref<20x128xi32, #tpu.memory_space<vmem>> -> memref<1x128xi32, #tpu.memory_space<vmem>>
    %dma_start3A_120 = tpu.memref_squeeze %dma_start3A_119 : memref<1x128xi32, #tpu.memory_space<vmem>> -> memref<128xi32, #tpu.memory_space<vmem>>
    %dma_start3A_121 = arith.constant 0 : i32
    %dma_start3A_122 = tpu.memref_slice %arg6[%dma_start3A_121] : memref<2543616xi32, #tpu.memory_space<hbm>> -> memref<2543616xi32, #tpu.memory_space<hbm>>
    tpu.enqueue_indirect_dma source(%dma_start3A_117 : memref<128xi32, #tpu.memory_space<vmem>>) target(%dma_start3A_122 : memref<2543616xi32, #tpu.memory_space<hbm>>) offsets(%dma_start3A_120 : memref<128xi32, #tpu.memory_space<vmem>>) semaphore(%arg22 : memref<!tpu.dma_semaphore, #tpu.memory_space<semaphore_mem>>)
    %dma_start3A_123 = arith.constant 6 : i32
    %dma_start3A_124 = arith.constant 768 : i32
    %dma_start3A_125 = tpu.memref_slice %arg12[%dma_start3A_124] : memref<2560xi32, #tpu.memory_space<vmem>> -> memref<128xi32, #tpu.memory_space<vmem>>
    %dma_start3A_126 = arith.constant 0 : i32
    %dma_start3A_127 = tpu.memref_slice %arg13[%dma_start3A_123, %dma_start3A_126] : memref<20x128xi32, #tpu.memory_space<vmem>> -> memref<1x128xi32, #tpu.memory_space<vmem>>
    %dma_start3A_128 = tpu.memref_squeeze %dma_start3A_127 : memref<1x128xi32, #tpu.memory_space<vmem>> -> memref<128xi32, #tpu.memory_space<vmem>>
    %dma_start3A_129 = arith.constant 0 : i32
    %dma_start3A_130 = tpu.memref_slice %arg6[%dma_start3A_129] : memref<2543616xi32, #tpu.memory_space<hbm>> -> memref<2543616xi32, #tpu.memory_space<hbm>>
    tpu.enqueue_indirect_dma source(%dma_start3A_125 : memref<128xi32, #tpu.memory_space<vmem>>) target(%dma_start3A_130 : memref<2543616xi32, #tpu.memory_space<hbm>>) offsets(%dma_start3A_128 : memref<128xi32, #tpu.memory_space<vmem>>) semaphore(%arg22 : memref<!tpu.dma_semaphore, #tpu.memory_space<semaphore_mem>>)
    %dma_start3A_131 = arith.constant 7 : i32
    %dma_start3A_132 = arith.constant 896 : i32
    %dma_start3A_133 = tpu.memref_slice %arg12[%dma_start3A_132] : memref<2560xi32, #tpu.memory_space<vmem>> -> memref<128xi32, #tpu.memory_space<vmem>>
    %dma_start3A_134 = arith.constant 0 : i32
    %dma_start3A_135 = tpu.memref_slice %arg13[%dma_start3A_131, %dma_start3A_134] : memref<20x128xi32, #tpu.memory_space<vmem>> -> memref<1x128xi32, #tpu.memory_space<vmem>>
    %dma_start3A_136 = tpu.memref_squeeze %dma_start3A_135 : memref<1x128xi32, #tpu.memory_space<vmem>> -> memref<128xi32, #tpu.memory_space<vmem>>
    %dma_start3A_137 = arith.constant 0 : i32
    %dma_start3A_138 = tpu.memref_slice %arg6[%dma_start3A_137] : memref<2543616xi32, #tpu.memory_space<hbm>> -> memref<2543616xi32, #tpu.memory_space<hbm>>
    tpu.enqueue_indirect_dma source(%dma_start3A_133 : memref<128xi32, #tpu.memory_space<vmem>>) target(%dma_start3A_138 : memref<2543616xi32, #tpu.memory_space<hbm>>) offsets(%dma_start3A_136 : memref<128xi32, #tpu.memory_space<vmem>>) semaphore(%arg22 : memref<!tpu.dma_semaphore, #tpu.memory_space<semaphore_mem>>)
    %dma_start3A_139 = arith.constant 8 : i32
    %dma_start3A_140 = arith.constant 1024 : i32
    %dma_start3A_141 = tpu.memref_slice %arg12[%dma_start3A_140] : memref<2560xi32, #tpu.memory_space<vmem>> -> memref<128xi32, #tpu.memory_space<vmem>>
    %dma_start3A_142 = arith.constant 0 : i32
    %dma_start3A_143 = tpu.memref_slice %arg13[%dma_start3A_139, %dma_start3A_142] : memref<20x128xi32, #tpu.memory_space<vmem>> -> memref<1x128xi32, #tpu.memory_space<vmem>>
    %dma_start3A_144 = tpu.memref_squeeze %dma_start3A_143 : memref<1x128xi32, #tpu.memory_space<vmem>> -> memref<128xi32, #tpu.memory_space<vmem>>
    %dma_start3A_145 = arith.constant 0 : i32
    %dma_start3A_146 = tpu.memref_slice %arg6[%dma_start3A_145] : memref<2543616xi32, #tpu.memory_space<hbm>> -> memref<2543616xi32, #tpu.memory_space<hbm>>
    tpu.enqueue_indirect_dma source(%dma_start3A_141 : memref<128xi32, #tpu.memory_space<vmem>>) target(%dma_start3A_146 : memref<2543616xi32, #tpu.memory_space<hbm>>) offsets(%dma_start3A_144 : memref<128xi32, #tpu.memory_space<vmem>>) semaphore(%arg22 : memref<!tpu.dma_semaphore, #tpu.memory_space<semaphore_mem>>)
    %dma_start3A_147 = arith.constant 9 : i32
    %dma_start3A_148 = arith.constant 1152 : i32
    %dma_start3A_149 = tpu.memref_slice %arg12[%dma_start3A_148] : memref<2560xi32, #tpu.memory_space<vmem>> -> memref<128xi32, #tpu.memory_space<vmem>>
    %dma_start3A_150 = arith.constant 0 : i32
    %dma_start3A_151 = tpu.memref_slice %arg13[%dma_start3A_147, %dma_start3A_150] : memref<20x128xi32, #tpu.memory_space<vmem>> -> memref<1x128xi32, #tpu.memory_space<vmem>>
    %dma_start3A_152 = tpu.memref_squeeze %dma_start3A_151 : memref<1x128xi32, #tpu.memory_space<vmem>> -> memref<128xi32, #tpu.memory_space<vmem>>
    %dma_start3A_153 = arith.constant 0 : i32
    %dma_start3A_154 = tpu.memref_slice %arg6[%dma_start3A_153] : memref<2543616xi32, #tpu.memory_space<hbm>> -> memref<2543616xi32, #tpu.memory_space<hbm>>
    tpu.enqueue_indirect_dma source(%dma_start3A_149 : memref<128xi32, #tpu.memory_space<vmem>>) target(%dma_start3A_154 : memref<2543616xi32, #tpu.memory_space<hbm>>) offsets(%dma_start3A_152 : memref<128xi32, #tpu.memory_space<vmem>>) semaphore(%arg22 : memref<!tpu.dma_semaphore, #tpu.memory_space<semaphore_mem>>)
    %dma_start3A_155 = arith.constant 10 : i32
    %dma_start3A_156 = arith.constant 1280 : i32
    %dma_start3A_157 = tpu.memref_slice %arg12[%dma_start3A_156] : memref<2560xi32, #tpu.memory_space<vmem>> -> memref<128xi32, #tpu.memory_space<vmem>>
    %dma_start3A_158 = arith.constant 0 : i32
    %dma_start3A_159 = tpu.memref_slice %arg13[%dma_start3A_155, %dma_start3A_158] : memref<20x128xi32, #tpu.memory_space<vmem>> -> memref<1x128xi32, #tpu.memory_space<vmem>>
    %dma_start3A_160 = tpu.memref_squeeze %dma_start3A_159 : memref<1x128xi32, #tpu.memory_space<vmem>> -> memref<128xi32, #tpu.memory_space<vmem>>
    %dma_start3A_161 = arith.constant 0 : i32
    %dma_start3A_162 = tpu.memref_slice %arg6[%dma_start3A_161] : memref<2543616xi32, #tpu.memory_space<hbm>> -> memref<2543616xi32, #tpu.memory_space<hbm>>
    tpu.enqueue_indirect_dma source(%dma_start3A_157 : memref<128xi32, #tpu.memory_space<vmem>>) target(%dma_start3A_162 : memref<2543616xi32, #tpu.memory_space<hbm>>) offsets(%dma_start3A_160 : memref<128xi32, #tpu.memory_space<vmem>>) semaphore(%arg22 : memref<!tpu.dma_semaphore, #tpu.memory_space<semaphore_mem>>)
    %dma_start3A_163 = arith.constant 11 : i32
    %dma_start3A_164 = arith.constant 1408 : i32
    %dma_start3A_165 = tpu.memref_slice %arg12[%dma_start3A_164] : memref<2560xi32, #tpu.memory_space<vmem>> -> memref<128xi32, #tpu.memory_space<vmem>>
    %dma_start3A_166 = arith.constant 0 : i32
    %dma_start3A_167 = tpu.memref_slice %arg13[%dma_start3A_163, %dma_start3A_166] : memref<20x128xi32, #tpu.memory_space<vmem>> -> memref<1x128xi32, #tpu.memory_space<vmem>>
    %dma_start3A_168 = tpu.memref_squeeze %dma_start3A_167 : memref<1x128xi32, #tpu.memory_space<vmem>> -> memref<128xi32, #tpu.memory_space<vmem>>
    %dma_start3A_169 = arith.constant 0 : i32
    %dma_start3A_170 = tpu.memref_slice %arg6[%dma_start3A_169] : memref<2543616xi32, #tpu.memory_space<hbm>> -> memref<2543616xi32, #tpu.memory_space<hbm>>
    tpu.enqueue_indirect_dma source(%dma_start3A_165 : memref<128xi32, #tpu.memory_space<vmem>>) target(%dma_start3A_170 : memref<2543616xi32, #tpu.memory_space<hbm>>) offsets(%dma_start3A_168 : memref<128xi32, #tpu.memory_space<vmem>>) semaphore(%arg22 : memref<!tpu.dma_semaphore, #tpu.memory_space<semaphore_mem>>)
    %dma_start3A_171 = arith.constant 12 : i32
    %dma_start3A_172 = arith.constant 1536 : i32
    %dma_start3A_173 = tpu.memref_slice %arg12[%dma_start3A_172] : memref<2560xi32, #tpu.memory_space<vmem>> -> memref<128xi32, #tpu.memory_space<vmem>>
    %dma_start3A_174 = arith.constant 0 : i32
    %dma_start3A_175 = tpu.memref_slice %arg13[%dma_start3A_171, %dma_start3A_174] : memref<20x128xi32, #tpu.memory_space<vmem>> -> memref<1x128xi32, #tpu.memory_space<vmem>>
    %dma_start3A_176 = tpu.memref_squeeze %dma_start3A_175 : memref<1x128xi32, #tpu.memory_space<vmem>> -> memref<128xi32, #tpu.memory_space<vmem>>
    %dma_start3A_177 = arith.constant 0 : i32
    %dma_start3A_178 = tpu.memref_slice %arg6[%dma_start3A_177] : memref<2543616xi32, #tpu.memory_space<hbm>> -> memref<2543616xi32, #tpu.memory_space<hbm>>
    tpu.enqueue_indirect_dma source(%dma_start3A_173 : memref<128xi32, #tpu.memory_space<vmem>>) target(%dma_start3A_178 : memref<2543616xi32, #tpu.memory_space<hbm>>) offsets(%dma_start3A_176 : memref<128xi32, #tpu.memory_space<vmem>>) semaphore(%arg22 : memref<!tpu.dma_semaphore, #tpu.memory_space<semaphore_mem>>)
    %dma_start3A_179 = arith.constant 13 : i32
    %dma_start3A_180 = arith.constant 1664 : i32
    %dma_start3A_181 = tpu.memref_slice %arg12[%dma_start3A_180] : memref<2560xi32, #tpu.memory_space<vmem>> -> memref<128xi32, #tpu.memory_space<vmem>>
    %dma_start3A_182 = arith.constant 0 : i32
    %dma_start3A_183 = tpu.memref_slice %arg13[%dma_start3A_179, %dma_start3A_182] : memref<20x128xi32, #tpu.memory_space<vmem>> -> memref<1x128xi32, #tpu.memory_space<vmem>>
    %dma_start3A_184 = tpu.memref_squeeze %dma_start3A_183 : memref<1x128xi32, #tpu.memory_space<vmem>> -> memref<128xi32, #tpu.memory_space<vmem>>
    %dma_start3A_185 = arith.constant 0 : i32
    %dma_start3A_186 = tpu.memref_slice %arg6[%dma_start3A_185] : memref<2543616xi32, #tpu.memory_space<hbm>> -> memref<2543616xi32, #tpu.memory_space<hbm>>
    tpu.enqueue_indirect_dma source(%dma_start3A_181 : memref<128xi32, #tpu.memory_space<vmem>>) target(%dma_start3A_186 : memref<2543616xi32, #tpu.memory_space<hbm>>) offsets(%dma_start3A_184 : memref<128xi32, #tpu.memory_space<vmem>>) semaphore(%arg22 : memref<!tpu.dma_semaphore, #tpu.memory_space<semaphore_mem>>)
    %dma_start3A_187 = arith.constant 14 : i32
    %dma_start3A_188 = arith.constant 1792 : i32
    %dma_start3A_189 = tpu.memref_slice %arg12[%dma_start3A_188] : memref<2560xi32, #tpu.memory_space<vmem>> -> memref<128xi32, #tpu.memory_space<vmem>>
    %dma_start3A_190 = arith.constant 0 : i32
    %dma_start3A_191 = tpu.memref_slice %arg13[%dma_start3A_187, %dma_start3A_190] : memref<20x128xi32, #tpu.memory_space<vmem>> -> memref<1x128xi32, #tpu.memory_space<vmem>>
    %dma_start3A_192 = tpu.memref_squeeze %dma_start3A_191 : memref<1x128xi32, #tpu.memory_space<vmem>> -> memref<128xi32, #tpu.memory_space<vmem>>
    %dma_start3A_193 = arith.constant 0 : i32
    %dma_start3A_194 = tpu.memref_slice %arg6[%dma_start3A_193] : memref<2543616xi32, #tpu.memory_space<hbm>> -> memref<2543616xi32, #tpu.memory_space<hbm>>
    tpu.enqueue_indirect_dma source(%dma_start3A_189 : memref<128xi32, #tpu.memory_space<vmem>>) target(%dma_start3A_194 : memref<2543616xi32, #tpu.memory_space<hbm>>) offsets(%dma_start3A_192 : memref<128xi32, #tpu.memory_space<vmem>>) semaphore(%arg22 : memref<!tpu.dma_semaphore, #tpu.memory_space<semaphore_mem>>)
    %dma_start3A_195 = arith.constant 15 : i32
    %dma_start3A_196 = arith.constant 1920 : i32
    %dma_start3A_197 = tpu.memref_slice %arg12[%dma_start3A_196] : memref<2560xi32, #tpu.memory_space<vmem>> -> memref<128xi32, #tpu.memory_space<vmem>>
    %dma_start3A_198 = arith.constant 0 : i32
    %dma_start3A_199 = tpu.memref_slice %arg13[%dma_start3A_195, %dma_start3A_198] : memref<20x128xi32, #tpu.memory_space<vmem>> -> memref<1x128xi32, #tpu.memory_space<vmem>>
    %dma_start3A_200 = tpu.memref_squeeze %dma_start3A_199 : memref<1x128xi32, #tpu.memory_space<vmem>> -> memref<128xi32, #tpu.memory_space<vmem>>
    %dma_start3A_201 = arith.constant 0 : i32
    %dma_start3A_202 = tpu.memref_slice %arg6[%dma_start3A_201] : memref<2543616xi32, #tpu.memory_space<hbm>> -> memref<2543616xi32, #tpu.memory_space<hbm>>
    tpu.enqueue_indirect_dma source(%dma_start3A_197 : memref<128xi32, #tpu.memory_space<vmem>>) target(%dma_start3A_202 : memref<2543616xi32, #tpu.memory_space<hbm>>) offsets(%dma_start3A_200 : memref<128xi32, #tpu.memory_space<vmem>>) semaphore(%arg22 : memref<!tpu.dma_semaphore, #tpu.memory_space<semaphore_mem>>)
    %dma_start3A_203 = arith.constant 16 : i32
    %dma_start3A_204 = arith.constant 2048 : i32
    %dma_start3A_205 = tpu.memref_slice %arg12[%dma_start3A_204] : memref<2560xi32, #tpu.memory_space<vmem>> -> memref<128xi32, #tpu.memory_space<vmem>>
    %dma_start3A_206 = arith.constant 0 : i32
    %dma_start3A_207 = tpu.memref_slice %arg13[%dma_start3A_203, %dma_start3A_206] : memref<20x128xi32, #tpu.memory_space<vmem>> -> memref<1x128xi32, #tpu.memory_space<vmem>>
    %dma_start3A_208 = tpu.memref_squeeze %dma_start3A_207 : memref<1x128xi32, #tpu.memory_space<vmem>> -> memref<128xi32, #tpu.memory_space<vmem>>
    %dma_start3A_209 = arith.constant 0 : i32
    %dma_start3A_210 = tpu.memref_slice %arg6[%dma_start3A_209] : memref<2543616xi32, #tpu.memory_space<hbm>> -> memref<2543616xi32, #tpu.memory_space<hbm>>
    tpu.enqueue_indirect_dma source(%dma_start3A_205 : memref<128xi32, #tpu.memory_space<vmem>>) target(%dma_start3A_210 : memref<2543616xi32, #tpu.memory_space<hbm>>) offsets(%dma_start3A_208 : memref<128xi32, #tpu.memory_space<vmem>>) semaphore(%arg22 : memref<!tpu.dma_semaphore, #tpu.memory_space<semaphore_mem>>)
    %dma_start3A_211 = arith.constant 17 : i32
    %dma_start3A_212 = arith.constant 2176 : i32
    %dma_start3A_213 = tpu.memref_slice %arg12[%dma_start3A_212] : memref<2560xi32, #tpu.memory_space<vmem>> -> memref<128xi32, #tpu.memory_space<vmem>>
    %dma_start3A_214 = arith.constant 0 : i32
    %dma_start3A_215 = tpu.memref_slice %arg13[%dma_start3A_211, %dma_start3A_214] : memref<20x128xi32, #tpu.memory_space<vmem>> -> memref<1x128xi32, #tpu.memory_space<vmem>>
    %dma_start3A_216 = tpu.memref_squeeze %dma_start3A_215 : memref<1x128xi32, #tpu.memory_space<vmem>> -> memref<128xi32, #tpu.memory_space<vmem>>
    %dma_start3A_217 = arith.constant 0 : i32
    %dma_start3A_218 = tpu.memref_slice %arg6[%dma_start3A_217] : memref<2543616xi32, #tpu.memory_space<hbm>> -> memref<2543616xi32, #tpu.memory_space<hbm>>
    tpu.enqueue_indirect_dma source(%dma_start3A_213 : memref<128xi32, #tpu.memory_space<vmem>>) target(%dma_start3A_218 : memref<2543616xi32, #tpu.memory_space<hbm>>) offsets(%dma_start3A_216 : memref<128xi32, #tpu.memory_space<vmem>>) semaphore(%arg22 : memref<!tpu.dma_semaphore, #tpu.memory_space<semaphore_mem>>)
    %dma_start3A_219 = arith.constant 18 : i32
    %dma_start3A_220 = arith.constant 2304 : i32
    %dma_start3A_221 = tpu.memref_slice %arg12[%dma_start3A_220] : memref<2560xi32, #tpu.memory_space<vmem>> -> memref<128xi32, #tpu.memory_space<vmem>>
    %dma_start3A_222 = arith.constant 0 : i32
    %dma_start3A_223 = tpu.memref_slice %arg13[%dma_start3A_219, %dma_start3A_222] : memref<20x128xi32, #tpu.memory_space<vmem>> -> memref<1x128xi32, #tpu.memory_space<vmem>>
    %dma_start3A_224 = tpu.memref_squeeze %dma_start3A_223 : memref<1x128xi32, #tpu.memory_space<vmem>> -> memref<128xi32, #tpu.memory_space<vmem>>
    %dma_start3A_225 = arith.constant 0 : i32
    %dma_start3A_226 = tpu.memref_slice %arg6[%dma_start3A_225] : memref<2543616xi32, #tpu.memory_space<hbm>> -> memref<2543616xi32, #tpu.memory_space<hbm>>
    tpu.enqueue_indirect_dma source(%dma_start3A_221 : memref<128xi32, #tpu.memory_space<vmem>>) target(%dma_start3A_226 : memref<2543616xi32, #tpu.memory_space<hbm>>) offsets(%dma_start3A_224 : memref<128xi32, #tpu.memory_space<vmem>>) semaphore(%arg22 : memref<!tpu.dma_semaphore, #tpu.memory_space<semaphore_mem>>)
    %dma_start3A_227 = arith.constant 19 : i32
    %dma_start3A_228 = arith.constant 2432 : i32
    %dma_start3A_229 = tpu.memref_slice %arg12[%dma_start3A_228] : memref<2560xi32, #tpu.memory_space<vmem>> -> memref<128xi32, #tpu.memory_space<vmem>>
    %dma_start3A_230 = arith.constant 0 : i32
    %dma_start3A_231 = tpu.memref_slice %arg13[%dma_start3A_227, %dma_start3A_230] : memref<20x128xi32, #tpu.memory_space<vmem>> -> memref<1x128xi32, #tpu.memory_space<vmem>>
    %dma_start3A_232 = tpu.memref_squeeze %dma_start3A_231 : memref<1x128xi32, #tpu.memory_space<vmem>> -> memref<128xi32, #tpu.memory_space<vmem>>
    %dma_start3A_233 = arith.constant 0 : i32
    %dma_start3A_234 = tpu.memref_slice %arg6[%dma_start3A_233] : memref<2543616xi32, #tpu.memory_space<hbm>> -> memref<2543616xi32, #tpu.memory_space<hbm>>
    tpu.enqueue_indirect_dma source(%dma_start3A_229 : memref<128xi32, #tpu.memory_space<vmem>>) target(%dma_start3A_234 : memref<2543616xi32, #tpu.memory_space<hbm>>) offsets(%dma_start3A_232 : memref<128xi32, #tpu.memory_space<vmem>>) semaphore(%arg22 : memref<!tpu.dma_semaphore, #tpu.memory_space<semaphore_mem>>)
    %dma_wait3A_235 = arith.constant 0 : i32
    %dma_wait3A_236 = arith.constant 0 : i32
    %dma_wait3A_237 = tpu.memref_slice %arg12[%dma_wait3A_236] : memref<2560xi32, #tpu.memory_space<vmem>> -> memref<128xi32, #tpu.memory_space<vmem>>
    %dma_wait3A_238 = arith.constant 0 : i32
    %dma_wait3A_239 = tpu.memref_slice %arg13[%dma_wait3A_235, %dma_wait3A_238] : memref<20x128xi32, #tpu.memory_space<vmem>> -> memref<1x128xi32, #tpu.memory_space<vmem>>
    %dma_wait3A_240 = tpu.memref_squeeze %dma_wait3A_239 : memref<1x128xi32, #tpu.memory_space<vmem>> -> memref<128xi32, #tpu.memory_space<vmem>>
    %dma_wait3A_241 = arith.constant 0 : i32
    %dma_wait3A_242 = tpu.memref_slice %arg6[%dma_wait3A_241] : memref<2543616xi32, #tpu.memory_space<hbm>> -> memref<2543616xi32, #tpu.memory_space<hbm>>
    tpu.wait_indirect_dma semaphore(%arg22 : memref<!tpu.dma_semaphore, #tpu.memory_space<semaphore_mem>>) src(%dma_wait3A_237 : memref<128xi32, #tpu.memory_space<vmem>>) dst(%dma_wait3A_242 : memref<2543616xi32, #tpu.memory_space<hbm>>)
    %dma_wait3A_243 = arith.constant 1 : i32
    %dma_wait3A_244 = arith.constant 128 : i32
    %dma_wait3A_245 = tpu.memref_slice %arg12[%dma_wait3A_244] : memref<2560xi32, #tpu.memory_space<vmem>> -> memref<128xi32, #tpu.memory_space<vmem>>
    %dma_wait3A_246 = arith.constant 0 : i32
    %dma_wait3A_247 = tpu.memref_slice %arg13[%dma_wait3A_243, %dma_wait3A_246] : memref<20x128xi32, #tpu.memory_space<vmem>> -> memref<1x128xi32, #tpu.memory_space<vmem>>
    %dma_wait3A_248 = tpu.memref_squeeze %dma_wait3A_247 : memref<1x128xi32, #tpu.memory_space<vmem>> -> memref<128xi32, #tpu.memory_space<vmem>>
    %dma_wait3A_249 = arith.constant 0 : i32
    %dma_wait3A_250 = tpu.memref_slice %arg6[%dma_wait3A_249] : memref<2543616xi32, #tpu.memory_space<hbm>> -> memref<2543616xi32, #tpu.memory_space<hbm>>
    tpu.wait_indirect_dma semaphore(%arg22 : memref<!tpu.dma_semaphore, #tpu.memory_space<semaphore_mem>>) src(%dma_wait3A_245 : memref<128xi32, #tpu.memory_space<vmem>>) dst(%dma_wait3A_250 : memref<2543616xi32, #tpu.memory_space<hbm>>)
    %dma_wait3A_251 = arith.constant 2 : i32
    %dma_wait3A_252 = arith.constant 256 : i32
    %dma_wait3A_253 = tpu.memref_slice %arg12[%dma_wait3A_252] : memref<2560xi32, #tpu.memory_space<vmem>> -> memref<128xi32, #tpu.memory_space<vmem>>
    %dma_wait3A_254 = arith.constant 0 : i32
    %dma_wait3A_255 = tpu.memref_slice %arg13[%dma_wait3A_251, %dma_wait3A_254] : memref<20x128xi32, #tpu.memory_space<vmem>> -> memref<1x128xi32, #tpu.memory_space<vmem>>
    %dma_wait3A_256 = tpu.memref_squeeze %dma_wait3A_255 : memref<1x128xi32, #tpu.memory_space<vmem>> -> memref<128xi32, #tpu.memory_space<vmem>>
    %dma_wait3A_257 = arith.constant 0 : i32
    %dma_wait3A_258 = tpu.memref_slice %arg6[%dma_wait3A_257] : memref<2543616xi32, #tpu.memory_space<hbm>> -> memref<2543616xi32, #tpu.memory_space<hbm>>
    tpu.wait_indirect_dma semaphore(%arg22 : memref<!tpu.dma_semaphore, #tpu.memory_space<semaphore_mem>>) src(%dma_wait3A_253 : memref<128xi32, #tpu.memory_space<vmem>>) dst(%dma_wait3A_258 : memref<2543616xi32, #tpu.memory_space<hbm>>)
    %dma_wait3A_259 = arith.constant 3 : i32
    %dma_wait3A_260 = arith.constant 384 : i32
    %dma_wait3A_261 = tpu.memref_slice %arg12[%dma_wait3A_260] : memref<2560xi32, #tpu.memory_space<vmem>> -> memref<128xi32, #tpu.memory_space<vmem>>
    %dma_wait3A_262 = arith.constant 0 : i32
    %dma_wait3A_263 = tpu.memref_slice %arg13[%dma_wait3A_259, %dma_wait3A_262] : memref<20x128xi32, #tpu.memory_space<vmem>> -> memref<1x128xi32, #tpu.memory_space<vmem>>
    %dma_wait3A_264 = tpu.memref_squeeze %dma_wait3A_263 : memref<1x128xi32, #tpu.memory_space<vmem>> -> memref<128xi32, #tpu.memory_space<vmem>>
    %dma_wait3A_265 = arith.constant 0 : i32
    %dma_wait3A_266 = tpu.memref_slice %arg6[%dma_wait3A_265] : memref<2543616xi32, #tpu.memory_space<hbm>> -> memref<2543616xi32, #tpu.memory_space<hbm>>
    tpu.wait_indirect_dma semaphore(%arg22 : memref<!tpu.dma_semaphore, #tpu.memory_space<semaphore_mem>>) src(%dma_wait3A_261 : memref<128xi32, #tpu.memory_space<vmem>>) dst(%dma_wait3A_266 : memref<2543616xi32, #tpu.memory_space<hbm>>)
    %dma_wait3A_267 = arith.constant 4 : i32
    %dma_wait3A_268 = arith.constant 512 : i32
    %dma_wait3A_269 = tpu.memref_slice %arg12[%dma_wait3A_268] : memref<2560xi32, #tpu.memory_space<vmem>> -> memref<128xi32, #tpu.memory_space<vmem>>
    %dma_wait3A_270 = arith.constant 0 : i32
    %dma_wait3A_271 = tpu.memref_slice %arg13[%dma_wait3A_267, %dma_wait3A_270] : memref<20x128xi32, #tpu.memory_space<vmem>> -> memref<1x128xi32, #tpu.memory_space<vmem>>
    %dma_wait3A_272 = tpu.memref_squeeze %dma_wait3A_271 : memref<1x128xi32, #tpu.memory_space<vmem>> -> memref<128xi32, #tpu.memory_space<vmem>>
    %dma_wait3A_273 = arith.constant 0 : i32
    %dma_wait3A_274 = tpu.memref_slice %arg6[%dma_wait3A_273] : memref<2543616xi32, #tpu.memory_space<hbm>> -> memref<2543616xi32, #tpu.memory_space<hbm>>
    tpu.wait_indirect_dma semaphore(%arg22 : memref<!tpu.dma_semaphore, #tpu.memory_space<semaphore_mem>>) src(%dma_wait3A_269 : memref<128xi32, #tpu.memory_space<vmem>>) dst(%dma_wait3A_274 : memref<2543616xi32, #tpu.memory_space<hbm>>)
    %dma_wait3A_275 = arith.constant 5 : i32
    %dma_wait3A_276 = arith.constant 640 : i32
    %dma_wait3A_277 = tpu.memref_slice %arg12[%dma_wait3A_276] : memref<2560xi32, #tpu.memory_space<vmem>> -> memref<128xi32, #tpu.memory_space<vmem>>
    %dma_wait3A_278 = arith.constant 0 : i32
    %dma_wait3A_279 = tpu.memref_slice %arg13[%dma_wait3A_275, %dma_wait3A_278] : memref<20x128xi32, #tpu.memory_space<vmem>> -> memref<1x128xi32, #tpu.memory_space<vmem>>
    %dma_wait3A_280 = tpu.memref_squeeze %dma_wait3A_279 : memref<1x128xi32, #tpu.memory_space<vmem>> -> memref<128xi32, #tpu.memory_space<vmem>>
    %dma_wait3A_281 = arith.constant 0 : i32
    %dma_wait3A_282 = tpu.memref_slice %arg6[%dma_wait3A_281] : memref<2543616xi32, #tpu.memory_space<hbm>> -> memref<2543616xi32, #tpu.memory_space<hbm>>
    tpu.wait_indirect_dma semaphore(%arg22 : memref<!tpu.dma_semaphore, #tpu.memory_space<semaphore_mem>>) src(%dma_wait3A_277 : memref<128xi32, #tpu.memory_space<vmem>>) dst(%dma_wait3A_282 : memref<2543616xi32, #tpu.memory_space<hbm>>)
    %dma_wait3A_283 = arith.constant 6 : i32
    %dma_wait3A_284 = arith.constant 768 : i32
    %dma_wait3A_285 = tpu.memref_slice %arg12[%dma_wait3A_284] : memref<2560xi32, #tpu.memory_space<vmem>> -> memref<128xi32, #tpu.memory_space<vmem>>
    %dma_wait3A_286 = arith.constant 0 : i32
    %dma_wait3A_287 = tpu.memref_slice %arg13[%dma_wait3A_283, %dma_wait3A_286] : memref<20x128xi32, #tpu.memory_space<vmem>> -> memref<1x128xi32, #tpu.memory_space<vmem>>
    %dma_wait3A_288 = tpu.memref_squeeze %dma_wait3A_287 : memref<1x128xi32, #tpu.memory_space<vmem>> -> memref<128xi32, #tpu.memory_space<vmem>>
    %dma_wait3A_289 = arith.constant 0 : i32
    %dma_wait3A_290 = tpu.memref_slice %arg6[%dma_wait3A_289] : memref<2543616xi32, #tpu.memory_space<hbm>> -> memref<2543616xi32, #tpu.memory_space<hbm>>
    tpu.wait_indirect_dma semaphore(%arg22 : memref<!tpu.dma_semaphore, #tpu.memory_space<semaphore_mem>>) src(%dma_wait3A_285 : memref<128xi32, #tpu.memory_space<vmem>>) dst(%dma_wait3A_290 : memref<2543616xi32, #tpu.memory_space<hbm>>)
    %dma_wait3A_291 = arith.constant 7 : i32
    %dma_wait3A_292 = arith.constant 896 : i32
    %dma_wait3A_293 = tpu.memref_slice %arg12[%dma_wait3A_292] : memref<2560xi32, #tpu.memory_space<vmem>> -> memref<128xi32, #tpu.memory_space<vmem>>
    %dma_wait3A_294 = arith.constant 0 : i32
    %dma_wait3A_295 = tpu.memref_slice %arg13[%dma_wait3A_291, %dma_wait3A_294] : memref<20x128xi32, #tpu.memory_space<vmem>> -> memref<1x128xi32, #tpu.memory_space<vmem>>
    %dma_wait3A_296 = tpu.memref_squeeze %dma_wait3A_295 : memref<1x128xi32, #tpu.memory_space<vmem>> -> memref<128xi32, #tpu.memory_space<vmem>>
    %dma_wait3A_297 = arith.constant 0 : i32
    %dma_wait3A_298 = tpu.memref_slice %arg6[%dma_wait3A_297] : memref<2543616xi32, #tpu.memory_space<hbm>> -> memref<2543616xi32, #tpu.memory_space<hbm>>
    tpu.wait_indirect_dma semaphore(%arg22 : memref<!tpu.dma_semaphore, #tpu.memory_space<semaphore_mem>>) src(%dma_wait3A_293 : memref<128xi32, #tpu.memory_space<vmem>>) dst(%dma_wait3A_298 : memref<2543616xi32, #tpu.memory_space<hbm>>)
    %dma_wait3A_299 = arith.constant 8 : i32
    %dma_wait3A_300 = arith.constant 1024 : i32
    %dma_wait3A_301 = tpu.memref_slice %arg12[%dma_wait3A_300] : memref<2560xi32, #tpu.memory_space<vmem>> -> memref<128xi32, #tpu.memory_space<vmem>>
    %dma_wait3A_302 = arith.constant 0 : i32
    %dma_wait3A_303 = tpu.memref_slice %arg13[%dma_wait3A_299, %dma_wait3A_302] : memref<20x128xi32, #tpu.memory_space<vmem>> -> memref<1x128xi32, #tpu.memory_space<vmem>>
    %dma_wait3A_304 = tpu.memref_squeeze %dma_wait3A_303 : memref<1x128xi32, #tpu.memory_space<vmem>> -> memref<128xi32, #tpu.memory_space<vmem>>
    %dma_wait3A_305 = arith.constant 0 : i32
    %dma_wait3A_306 = tpu.memref_slice %arg6[%dma_wait3A_305] : memref<2543616xi32, #tpu.memory_space<hbm>> -> memref<2543616xi32, #tpu.memory_space<hbm>>
    tpu.wait_indirect_dma semaphore(%arg22 : memref<!tpu.dma_semaphore, #tpu.memory_space<semaphore_mem>>) src(%dma_wait3A_301 : memref<128xi32, #tpu.memory_space<vmem>>) dst(%dma_wait3A_306 : memref<2543616xi32, #tpu.memory_space<hbm>>)
    %dma_wait3A_307 = arith.constant 9 : i32
    %dma_wait3A_308 = arith.constant 1152 : i32
    %dma_wait3A_309 = tpu.memref_slice %arg12[%dma_wait3A_308] : memref<2560xi32, #tpu.memory_space<vmem>> -> memref<128xi32, #tpu.memory_space<vmem>>
    %dma_wait3A_310 = arith.constant 0 : i32
    %dma_wait3A_311 = tpu.memref_slice %arg13[%dma_wait3A_307, %dma_wait3A_310] : memref<20x128xi32, #tpu.memory_space<vmem>> -> memref<1x128xi32, #tpu.memory_space<vmem>>
    %dma_wait3A_312 = tpu.memref_squeeze %dma_wait3A_311 : memref<1x128xi32, #tpu.memory_space<vmem>> -> memref<128xi32, #tpu.memory_space<vmem>>
    %dma_wait3A_313 = arith.constant 0 : i32
    %dma_wait3A_314 = tpu.memref_slice %arg6[%dma_wait3A_313] : memref<2543616xi32, #tpu.memory_space<hbm>> -> memref<2543616xi32, #tpu.memory_space<hbm>>
    tpu.wait_indirect_dma semaphore(%arg22 : memref<!tpu.dma_semaphore, #tpu.memory_space<semaphore_mem>>) src(%dma_wait3A_309 : memref<128xi32, #tpu.memory_space<vmem>>) dst(%dma_wait3A_314 : memref<2543616xi32, #tpu.memory_space<hbm>>)
    %dma_wait3A_315 = arith.constant 10 : i32
    %dma_wait3A_316 = arith.constant 1280 : i32
    %dma_wait3A_317 = tpu.memref_slice %arg12[%dma_wait3A_316] : memref<2560xi32, #tpu.memory_space<vmem>> -> memref<128xi32, #tpu.memory_space<vmem>>
    %dma_wait3A_318 = arith.constant 0 : i32
    %dma_wait3A_319 = tpu.memref_slice %arg13[%dma_wait3A_315, %dma_wait3A_318] : memref<20x128xi32, #tpu.memory_space<vmem>> -> memref<1x128xi32, #tpu.memory_space<vmem>>
    %dma_wait3A_320 = tpu.memref_squeeze %dma_wait3A_319 : memref<1x128xi32, #tpu.memory_space<vmem>> -> memref<128xi32, #tpu.memory_space<vmem>>
    %dma_wait3A_321 = arith.constant 0 : i32
    %dma_wait3A_322 = tpu.memref_slice %arg6[%dma_wait3A_321] : memref<2543616xi32, #tpu.memory_space<hbm>> -> memref<2543616xi32, #tpu.memory_space<hbm>>
    tpu.wait_indirect_dma semaphore(%arg22 : memref<!tpu.dma_semaphore, #tpu.memory_space<semaphore_mem>>) src(%dma_wait3A_317 : memref<128xi32, #tpu.memory_space<vmem>>) dst(%dma_wait3A_322 : memref<2543616xi32, #tpu.memory_space<hbm>>)
    %dma_wait3A_323 = arith.constant 11 : i32
    %dma_wait3A_324 = arith.constant 1408 : i32
    %dma_wait3A_325 = tpu.memref_slice %arg12[%dma_wait3A_324] : memref<2560xi32, #tpu.memory_space<vmem>> -> memref<128xi32, #tpu.memory_space<vmem>>
    %dma_wait3A_326 = arith.constant 0 : i32
    %dma_wait3A_327 = tpu.memref_slice %arg13[%dma_wait3A_323, %dma_wait3A_326] : memref<20x128xi32, #tpu.memory_space<vmem>> -> memref<1x128xi32, #tpu.memory_space<vmem>>
    %dma_wait3A_328 = tpu.memref_squeeze %dma_wait3A_327 : memref<1x128xi32, #tpu.memory_space<vmem>> -> memref<128xi32, #tpu.memory_space<vmem>>
    %dma_wait3A_329 = arith.constant 0 : i32
    %dma_wait3A_330 = tpu.memref_slice %arg6[%dma_wait3A_329] : memref<2543616xi32, #tpu.memory_space<hbm>> -> memref<2543616xi32, #tpu.memory_space<hbm>>
    tpu.wait_indirect_dma semaphore(%arg22 : memref<!tpu.dma_semaphore, #tpu.memory_space<semaphore_mem>>) src(%dma_wait3A_325 : memref<128xi32, #tpu.memory_space<vmem>>) dst(%dma_wait3A_330 : memref<2543616xi32, #tpu.memory_space<hbm>>)
    %dma_wait3A_331 = arith.constant 12 : i32
    %dma_wait3A_332 = arith.constant 1536 : i32
    %dma_wait3A_333 = tpu.memref_slice %arg12[%dma_wait3A_332] : memref<2560xi32, #tpu.memory_space<vmem>> -> memref<128xi32, #tpu.memory_space<vmem>>
    %dma_wait3A_334 = arith.constant 0 : i32
    %dma_wait3A_335 = tpu.memref_slice %arg13[%dma_wait3A_331, %dma_wait3A_334] : memref<20x128xi32, #tpu.memory_space<vmem>> -> memref<1x128xi32, #tpu.memory_space<vmem>>
    %dma_wait3A_336 = tpu.memref_squeeze %dma_wait3A_335 : memref<1x128xi32, #tpu.memory_space<vmem>> -> memref<128xi32, #tpu.memory_space<vmem>>
    %dma_wait3A_337 = arith.constant 0 : i32
    %dma_wait3A_338 = tpu.memref_slice %arg6[%dma_wait3A_337] : memref<2543616xi32, #tpu.memory_space<hbm>> -> memref<2543616xi32, #tpu.memory_space<hbm>>
    tpu.wait_indirect_dma semaphore(%arg22 : memref<!tpu.dma_semaphore, #tpu.memory_space<semaphore_mem>>) src(%dma_wait3A_333 : memref<128xi32, #tpu.memory_space<vmem>>) dst(%dma_wait3A_338 : memref<2543616xi32, #tpu.memory_space<hbm>>)
    %dma_wait3A_339 = arith.constant 13 : i32
    %dma_wait3A_340 = arith.constant 1664 : i32
    %dma_wait3A_341 = tpu.memref_slice %arg12[%dma_wait3A_340] : memref<2560xi32, #tpu.memory_space<vmem>> -> memref<128xi32, #tpu.memory_space<vmem>>
    %dma_wait3A_342 = arith.constant 0 : i32
    %dma_wait3A_343 = tpu.memref_slice %arg13[%dma_wait3A_339, %dma_wait3A_342] : memref<20x128xi32, #tpu.memory_space<vmem>> -> memref<1x128xi32, #tpu.memory_space<vmem>>
    %dma_wait3A_344 = tpu.memref_squeeze %dma_wait3A_343 : memref<1x128xi32, #tpu.memory_space<vmem>> -> memref<128xi32, #tpu.memory_space<vmem>>
    %dma_wait3A_345 = arith.constant 0 : i32
    %dma_wait3A_346 = tpu.memref_slice %arg6[%dma_wait3A_345] : memref<2543616xi32, #tpu.memory_space<hbm>> -> memref<2543616xi32, #tpu.memory_space<hbm>>
    tpu.wait_indirect_dma semaphore(%arg22 : memref<!tpu.dma_semaphore, #tpu.memory_space<semaphore_mem>>) src(%dma_wait3A_341 : memref<128xi32, #tpu.memory_space<vmem>>) dst(%dma_wait3A_346 : memref<2543616xi32, #tpu.memory_space<hbm>>)
    %dma_wait3A_347 = arith.constant 14 : i32
    %dma_wait3A_348 = arith.constant 1792 : i32
    %dma_wait3A_349 = tpu.memref_slice %arg12[%dma_wait3A_348] : memref<2560xi32, #tpu.memory_space<vmem>> -> memref<128xi32, #tpu.memory_space<vmem>>
    %dma_wait3A_350 = arith.constant 0 : i32
    %dma_wait3A_351 = tpu.memref_slice %arg13[%dma_wait3A_347, %dma_wait3A_350] : memref<20x128xi32, #tpu.memory_space<vmem>> -> memref<1x128xi32, #tpu.memory_space<vmem>>
    %dma_wait3A_352 = tpu.memref_squeeze %dma_wait3A_351 : memref<1x128xi32, #tpu.memory_space<vmem>> -> memref<128xi32, #tpu.memory_space<vmem>>
    %dma_wait3A_353 = arith.constant 0 : i32
    %dma_wait3A_354 = tpu.memref_slice %arg6[%dma_wait3A_353] : memref<2543616xi32, #tpu.memory_space<hbm>> -> memref<2543616xi32, #tpu.memory_space<hbm>>
    tpu.wait_indirect_dma semaphore(%arg22 : memref<!tpu.dma_semaphore, #tpu.memory_space<semaphore_mem>>) src(%dma_wait3A_349 : memref<128xi32, #tpu.memory_space<vmem>>) dst(%dma_wait3A_354 : memref<2543616xi32, #tpu.memory_space<hbm>>)
    %dma_wait3A_355 = arith.constant 15 : i32
    %dma_wait3A_356 = arith.constant 1920 : i32
    %dma_wait3A_357 = tpu.memref_slice %arg12[%dma_wait3A_356] : memref<2560xi32, #tpu.memory_space<vmem>> -> memref<128xi32, #tpu.memory_space<vmem>>
    %dma_wait3A_358 = arith.constant 0 : i32
    %dma_wait3A_359 = tpu.memref_slice %arg13[%dma_wait3A_355, %dma_wait3A_358] : memref<20x128xi32, #tpu.memory_space<vmem>> -> memref<1x128xi32, #tpu.memory_space<vmem>>
    %dma_wait3A_360 = tpu.memref_squeeze %dma_wait3A_359 : memref<1x128xi32, #tpu.memory_space<vmem>> -> memref<128xi32, #tpu.memory_space<vmem>>
    %dma_wait3A_361 = arith.constant 0 : i32
    %dma_wait3A_362 = tpu.memref_slice %arg6[%dma_wait3A_361] : memref<2543616xi32, #tpu.memory_space<hbm>> -> memref<2543616xi32, #tpu.memory_space<hbm>>
    tpu.wait_indirect_dma semaphore(%arg22 : memref<!tpu.dma_semaphore, #tpu.memory_space<semaphore_mem>>) src(%dma_wait3A_357 : memref<128xi32, #tpu.memory_space<vmem>>) dst(%dma_wait3A_362 : memref<2543616xi32, #tpu.memory_space<hbm>>)
    %dma_wait3A_363 = arith.constant 16 : i32
    %dma_wait3A_364 = arith.constant 2048 : i32
    %dma_wait3A_365 = tpu.memref_slice %arg12[%dma_wait3A_364] : memref<2560xi32, #tpu.memory_space<vmem>> -> memref<128xi32, #tpu.memory_space<vmem>>
    %dma_wait3A_366 = arith.constant 0 : i32
    %dma_wait3A_367 = tpu.memref_slice %arg13[%dma_wait3A_363, %dma_wait3A_366] : memref<20x128xi32, #tpu.memory_space<vmem>> -> memref<1x128xi32, #tpu.memory_space<vmem>>
    %dma_wait3A_368 = tpu.memref_squeeze %dma_wait3A_367 : memref<1x128xi32, #tpu.memory_space<vmem>> -> memref<128xi32, #tpu.memory_space<vmem>>
    %dma_wait3A_369 = arith.constant 0 : i32
    %dma_wait3A_370 = tpu.memref_slice %arg6[%dma_wait3A_369] : memref<2543616xi32, #tpu.memory_space<hbm>> -> memref<2543616xi32, #tpu.memory_space<hbm>>
    tpu.wait_indirect_dma semaphore(%arg22 : memref<!tpu.dma_semaphore, #tpu.memory_space<semaphore_mem>>) src(%dma_wait3A_365 : memref<128xi32, #tpu.memory_space<vmem>>) dst(%dma_wait3A_370 : memref<2543616xi32, #tpu.memory_space<hbm>>)
    %dma_wait3A_371 = arith.constant 17 : i32
    %dma_wait3A_372 = arith.constant 2176 : i32
    %dma_wait3A_373 = tpu.memref_slice %arg12[%dma_wait3A_372] : memref<2560xi32, #tpu.memory_space<vmem>> -> memref<128xi32, #tpu.memory_space<vmem>>
    %dma_wait3A_374 = arith.constant 0 : i32
    %dma_wait3A_375 = tpu.memref_slice %arg13[%dma_wait3A_371, %dma_wait3A_374] : memref<20x128xi32, #tpu.memory_space<vmem>> -> memref<1x128xi32, #tpu.memory_space<vmem>>
    %dma_wait3A_376 = tpu.memref_squeeze %dma_wait3A_375 : memref<1x128xi32, #tpu.memory_space<vmem>> -> memref<128xi32, #tpu.memory_space<vmem>>
    %dma_wait3A_377 = arith.constant 0 : i32
    %dma_wait3A_378 = tpu.memref_slice %arg6[%dma_wait3A_377] : memref<2543616xi32, #tpu.memory_space<hbm>> -> memref<2543616xi32, #tpu.memory_space<hbm>>
    tpu.wait_indirect_dma semaphore(%arg22 : memref<!tpu.dma_semaphore, #tpu.memory_space<semaphore_mem>>) src(%dma_wait3A_373 : memref<128xi32, #tpu.memory_space<vmem>>) dst(%dma_wait3A_378 : memref<2543616xi32, #tpu.memory_space<hbm>>)
    %dma_wait3A_379 = arith.constant 18 : i32
    %dma_wait3A_380 = arith.constant 2304 : i32
    %dma_wait3A_381 = tpu.memref_slice %arg12[%dma_wait3A_380] : memref<2560xi32, #tpu.memory_space<vmem>> -> memref<128xi32, #tpu.memory_space<vmem>>
    %dma_wait3A_382 = arith.constant 0 : i32
    %dma_wait3A_383 = tpu.memref_slice %arg13[%dma_wait3A_379, %dma_wait3A_382] : memref<20x128xi32, #tpu.memory_space<vmem>> -> memref<1x128xi32, #tpu.memory_space<vmem>>
    %dma_wait3A_384 = tpu.memref_squeeze %dma_wait3A_383 : memref<1x128xi32, #tpu.memory_space<vmem>> -> memref<128xi32, #tpu.memory_space<vmem>>
    %dma_wait3A_385 = arith.constant 0 : i32
    %dma_wait3A_386 = tpu.memref_slice %arg6[%dma_wait3A_385] : memref<2543616xi32, #tpu.memory_space<hbm>> -> memref<2543616xi32, #tpu.memory_space<hbm>>
    tpu.wait_indirect_dma semaphore(%arg22 : memref<!tpu.dma_semaphore, #tpu.memory_space<semaphore_mem>>) src(%dma_wait3A_381 : memref<128xi32, #tpu.memory_space<vmem>>) dst(%dma_wait3A_386 : memref<2543616xi32, #tpu.memory_space<hbm>>)
    %dma_wait3A_387 = arith.constant 19 : i32
    %dma_wait3A_388 = arith.constant 2432 : i32
    %dma_wait3A_389 = tpu.memref_slice %arg12[%dma_wait3A_388] : memref<2560xi32, #tpu.memory_space<vmem>> -> memref<128xi32, #tpu.memory_space<vmem>>
    %dma_wait3A_390 = arith.constant 0 : i32
    %dma_wait3A_391 = tpu.memref_slice %arg13[%dma_wait3A_387, %dma_wait3A_390] : memref<20x128xi32, #tpu.memory_space<vmem>> -> memref<1x128xi32, #tpu.memory_space<vmem>>
    %dma_wait3A_392 = tpu.memref_squeeze %dma_wait3A_391 : memref<1x128xi32, #tpu.memory_space<vmem>> -> memref<128xi32, #tpu.memory_space<vmem>>
    %dma_wait3A_393 = arith.constant 0 : i32
    %dma_wait3A_394 = tpu.memref_slice %arg6[%dma_wait3A_393] : memref<2543616xi32, #tpu.memory_space<hbm>> -> memref<2543616xi32, #tpu.memory_space<hbm>>
    tpu.wait_indirect_dma semaphore(%arg22 : memref<!tpu.dma_semaphore, #tpu.memory_space<semaphore_mem>>) src(%dma_wait3A_389 : memref<128xi32, #tpu.memory_space<vmem>>) dst(%dma_wait3A_394 : memref<2543616xi32, #tpu.memory_space<hbm>>)
    %while3A = arith.constant 1 : i32
    %while3A_395 = scf.while (%while3A_403 = %while3A) : (i32) -> i32 {
      %gt3A = arith.constant 0 : i32
      %gt3A_404 = arith.cmpi sgt, %while3A_403, %gt3A : i32
      scf.condition(%gt3A_404) %while3A_403 : i32
    } do {
    ^bb0(%while3A_403: i32):
      %scan3A_404 = arith.constant 0 : i32
      %scan3A_405 = arith.constant 0 : i32
      %scan3A_406 = arith.constant 20 : i32
      %scan3A_407 = arith.addi %scan3A_405, %scan3A_406 : i32
      %scan3A_408 = arith.constant 1 : i32
      %scan3A_409 = scf.for %scan3A_411 = %scan3A_405 to %scan3A_407 step %scan3A_408 iter_args(%scan3A_412 = %scan3A_404) -> (i32)  : i32 {
        %dma_start3A_413 = arith.constant 0 : i32
        %dma_start3A_414 = tpu.memref_slice %arg13[%scan3A_411, %dma_start3A_413] : memref<20x128xi32, #tpu.memory_space<vmem>> -> memref<1x128xi32, #tpu.memory_space<vmem>>
        %dma_start3A_415 = tpu.memref_squeeze %dma_start3A_414 : memref<1x128xi32, #tpu.memory_space<vmem>> -> memref<128xi32, #tpu.memory_space<vmem>>
        %dma_start3A_416 = arith.constant 0 : i32
        %dma_start3A_417 = tpu.memref_slice %arg6[%dma_start3A_416] : memref<2543616xi32, #tpu.memory_space<hbm>> -> memref<2543616xi32, #tpu.memory_space<hbm>>
        tpu.enqueue_indirect_dma source(%dma_start3A_417 : memref<2543616xi32, #tpu.memory_space<hbm>>) target(%arg14 : memref<128xi32, #tpu.memory_space<vmem>>) offsets(%dma_start3A_415 : memref<128xi32, #tpu.memory_space<vmem>>) semaphore(%arg22 : memref<!tpu.dma_semaphore, #tpu.memory_space<semaphore_mem>>)
        %dma_wait3A_418 = arith.constant 0 : i32
        %dma_wait3A_419 = tpu.memref_slice %arg13[%scan3A_411, %dma_wait3A_418] : memref<20x128xi32, #tpu.memory_space<vmem>> -> memref<1x128xi32, #tpu.memory_space<vmem>>
        %dma_wait3A_420 = tpu.memref_squeeze %dma_wait3A_419 : memref<1x128xi32, #tpu.memory_space<vmem>> -> memref<128xi32, #tpu.memory_space<vmem>>
        %dma_wait3A_421 = arith.constant 0 : i32
        %dma_wait3A_422 = tpu.memref_slice %arg6[%dma_wait3A_421] : memref<2543616xi32, #tpu.memory_space<hbm>> -> memref<2543616xi32, #tpu.memory_space<hbm>>
        tpu.wait_indirect_dma semaphore(%arg22 : memref<!tpu.dma_semaphore, #tpu.memory_space<semaphore_mem>>) src(%dma_wait3A_422 : memref<2543616xi32, #tpu.memory_space<hbm>>) dst(%arg14 : memref<128xi32, #tpu.memory_space<vmem>>)
        %scan3A_423 = arith.constant 0 : i32
        %scan3A_424 = arith.constant 8 : i32
        %scan3A_425 = arith.addi %scan3A_423, %scan3A_424 : i32
        %scan3A_426 = arith.constant 1 : i32
        %scan3A_427 = scf.for %scan3A_429 = %scan3A_423 to %scan3A_425 step %scan3A_426 iter_args(%scan3A_430 = %scan3A_412) -> (i32)  : i32 {
          %mul3A_431 = arith.constant 16 : i32
          %mul3A_432 = arith.muli %scan3A_429, %mul3A_431 : i32
          %get3A = arith.index_cast %mul3A_432 : i32 to index
          %get3A_433 = tpu.vector_load %arg14[%get3A] {strides = array<i32>} : memref<128xi32, #tpu.memory_space<vmem>>, vector<16xi32>,
          %mul3A_434 = arith.constant 128 : i32
          %mul3A_435 = arith.muli %scan3A_411, %mul3A_434 : i32
          %mul3A_436 = arith.constant 16 : i32
          %mul3A_437 = arith.muli %scan3A_429, %mul3A_436 : i32
          %add3A_438 = arith.addi %mul3A_435, %mul3A_437 : i32
          %get3A_439 = arith.index_cast %add3A_438 : i32 to index
          %get3A_440 = tpu.vector_load %arg12[%get3A_439] {strides = array<i32>} : memref<2560xi32, #tpu.memory_space<vmem>>, vector<16xi32>,
          %ne3A = arith.cmpi ne, %get3A_433, %get3A_440 : vector<16xi32>
          %select_n3A = arith.select %ne3A, %broadcast_in_dim3A_7, %broadcast_in_dim3A_5 : vector<16xi1>, vector<16xi32>
          %reduce_sum3A = arith.constant true
          %reduce_sum3A_441 = vector.broadcast %reduce_sum3A : i1 to vector<16xi1>
          %reduce_sum3A_442 = tpu.scan <sum>, %select_n3A masked %reduce_sum3A_441 : vector<16xi32>, vector<16xi1> -> vector<16xi32>
          %reduce_sum3A_443 = vector.extract %reduce_sum3A_442[15] : i32 from vector<16xi32>
          %add3A_444 = arith.addi %scan3A_430, %reduce_sum3A_443 : i32
          scf.yield %add3A_444 : i32
        }
        %scan3A_428 = arith.constant 8 : i32
        scf.yield %scan3A_427 : i32
      }
      %scan3A_410 = arith.constant 20 : i32
      scf.yield %scan3A_409 : i32
    }
    %barrier3A_396 = arith.constant 0 : index
    tpu.barrier barrier_id(%barrier3A_396)
    %scan3A_397 = arith.constant 0 : i32
    %scan3A_398 = arith.constant 0 : i32
    %scan3A_399 = arith.constant 10 : i32
    %scan3A_400 = arith.addi %scan3A_398, %scan3A_399 : i32
    %scan3A_401 = arith.constant 1 : i32
    scf.for %scan3A_403 = %scan3A_398 to %scan3A_400 step %scan3A_401  : i32 {
      %mul3A_404 = arith.constant 32 : i32
      %mul3A_405 = arith.muli %mul3A_404, %scan3A_403 : i32
      %add3A_406 = arith.addi %add3A, %mul3A_405 : i32
      %lt3A = arith.constant 315 : i32
      %lt3A_407 = arith.cmpi slt, %add3A_406, %lt3A : i32
      %convert_element_type3A = arith.extui %lt3A_407 : i1 to i32
      %cond3A = arith.constant 0 : i32
      %cond3A_408 = arith.cmpi ne, %convert_element_type3A, %cond3A : i32
      scf.if %cond3A_408 {
        %jit3A = arith.constant 63 : i32
        %div3A = arith.divsi %add3A_406, %jit3A : i32
        %sign3A = arith.constant 0 : i32
        %sign3A_409 = arith.cmpi sgt, %add3A_406, %sign3A : i32
        %sign3A_410 = arith.extui %sign3A_409 : i1 to i32
        %sign3A_411 = arith.constant 0 : i32
        %sign3A_412 = arith.cmpi slt, %add3A_406, %sign3A_411 : i32
        %sign3A_413 = arith.extui %sign3A_412 : i1 to i32
        %sign3A_414 = arith.subi %sign3A_410, %sign3A_413 : i32
        %sign3A_415 = arith.constant 0 : i32
        %sign3A_416 = arith.cmpi sgt, %jit3A, %sign3A_415 : i32
        %sign3A_417 = arith.extui %sign3A_416 : i1 to i32
        %sign3A_418 = arith.constant 0 : i32
        %sign3A_419 = arith.cmpi slt, %jit3A, %sign3A_418 : i32
        %sign3A_420 = arith.extui %sign3A_419 : i1 to i32
        %sign3A_421 = arith.subi %sign3A_417, %sign3A_420 : i32
        %ne3A = arith.cmpi ne, %sign3A_414, %sign3A_421 : i32
        %rem3A = arith.remsi %add3A_406, %jit3A : i32
        %ne3A_422 = arith.constant 0 : i32
        %ne3A_423 = arith.cmpi ne, %rem3A, %ne3A_422 : i32
        %and3A = arith.andi %ne3A, %ne3A_423 : i1
        %sub3A = arith.constant 1 : i32
        %sub3A_424 = arith.subi %div3A, %sub3A : i32
        %select_n3A = arith.select %and3A, %sub3A_424, %div3A : i32
        %jit3A_425 = arith.constant 63 : i32
        %eq3A = arith.constant 0 : i32
        %eq3A_426 = arith.cmpi eq, %jit3A_425, %eq3A : i32
        %jit3A_427 = arith.constant 1 : i32
        %select_n3A_428 = arith.select %eq3A_426, %jit3A_427, %jit3A_425 : i32
        %rem3A_429 = arith.remsi %add3A_406, %select_n3A_428 : i32
        %ne3A_430 = arith.constant 0 : i32
        %ne3A_431 = arith.cmpi ne, %rem3A_429, %ne3A_430 : i32
        %lt3A_432 = arith.constant 0 : i32
        %lt3A_433 = arith.cmpi slt, %rem3A_429, %lt3A_432 : i32
        %lt3A_434 = arith.constant 0 : i32
        %lt3A_435 = arith.cmpi slt, %select_n3A_428, %lt3A_434 : i32
        %ne3A_436 = arith.xori %lt3A_433, %lt3A_435 : i1
        %and3A_437 = arith.andi %ne3A_436, %ne3A_431 : i1
        %add3A_438 = arith.addi %rem3A_429, %select_n3A_428 : i32
        %select_n3A_439 = arith.select %and3A_437, %add3A_438, %rem3A_429 : i32
        %mul3A_440 = arith.constant 254016 : i32
        %mul3A_441 = arith.muli %select_n3A, %mul3A_440 : i32
        %add3A_442 = arith.addi %mul3A_14, %mul3A_441 : i32
        %mul3A_443 = arith.constant 4032 : i32
        %mul3A_444 = arith.muli %select_n3A_439, %mul3A_443 : i32
        %add3A_445 = arith.addi %add3A_442, %mul3A_444 : i32
        "tpu.region"() ({
          %run_scoped3A = tpu.sem_alloc : memref<!tpu.dma_semaphore, #tpu.memory_space<semaphore_mem>>
          %dma_start3A_483 = tpu.memref_slice %arg6[%add3A_445] : memref<2543616xi32, #tpu.memory_space<hbm>> -> memref<4032xi32, #tpu.memory_space<hbm>>
          %dma_start3A_484 = tpu.memref_slice %arg6[%add3A_445] : memref<2543616xi32, #tpu.memory_space<hbm>> -> memref<4032xi32, #tpu.memory_space<hbm>>
          tpu.enqueue_dma source(%dma_start3A_484 : memref<4032xi32, #tpu.memory_space<hbm>>) target(%arg15 : memref<4032xi32, #tpu.memory_space<vmem>>) target_semaphore(%run_scoped3A : memref<!tpu.dma_semaphore, #tpu.memory_space<semaphore_mem>>)
          %dma_wait3A_485 = tpu.memref_slice %arg6[%add3A_445] : memref<2543616xi32, #tpu.memory_space<hbm>> -> memref<4032xi32, #tpu.memory_space<hbm>>
          %dma_wait3A_486 = tpu.memref_slice %arg6[%add3A_445] : memref<2543616xi32, #tpu.memory_space<hbm>> -> memref<4032xi32, #tpu.memory_space<hbm>>
          tpu.wait_dma2 semaphore(%run_scoped3A : memref<!tpu.dma_semaphore, #tpu.memory_space<semaphore_mem>>) src(%dma_wait3A_486 : memref<4032xi32, #tpu.memory_space<hbm>>) dst(%arg15 : memref<4032xi32, #tpu.memory_space<vmem>>)
          tpu.yield
        }) : () -> ()
        %scan3A_446 = arith.constant 0 : i32
        %scan3A_447 = arith.constant 0 : i32
        %scan3A_448 = arith.constant 252 : i32
        %scan3A_449 = arith.addi %scan3A_447, %scan3A_448 : i32
        %scan3A_450 = arith.constant 1 : i32
        %scan3A_451 = scf.for %scan3A_483 = %scan3A_447 to %scan3A_449 step %scan3A_450 iter_args(%scan3A_484 = %scan3A_446) -> (i32)  : i32 {
          %mul3A_485 = arith.constant 16 : i32
          %mul3A_486 = arith.muli %scan3A_483, %mul3A_485 : i32
          %get3A = arith.index_cast %mul3A_486 : i32 to index
          %get3A_487 = tpu.vector_load %arg15[%get3A] {strides = array<i32>} : memref<4032xi32, #tpu.memory_space<vmem>>, vector<16xi32>,
          %ge3A = arith.constant 0 : i32
          %ge3A_488 = vector.broadcast %ge3A : i32 to vector<16xi32>
          %ge3A_489 = arith.cmpi sge, %get3A_487, %ge3A_488 : vector<16xi32>
          %select_n3A_490 = arith.select %ge3A_489, %broadcast_in_dim3A_7, %broadcast_in_dim3A_5 : vector<16xi1>, vector<16xi32>
          %broadcast_in_dim3A_491 = arith.constant true
          %broadcast_in_dim3A_492 = vector.broadcast %broadcast_in_dim3A_491 : i1 to vector<16xi1>
          %masked_cumsum3A = tpu.scan <sum>, %select_n3A_490 masked %broadcast_in_dim3A_492 : vector<16xi32>, vector<16xi1> -> vector<16xi32>
          %add3A_493 = vector.broadcast %scan3A_484 : i32 to vector<16xi32>
          %add3A_494 = arith.addi %add3A_493, %masked_cumsum3A : vector<16xi32>
          %sub3A_495 = arith.constant 1 : i32
          %sub3A_496 = vector.broadcast %sub3A_495 : i32 to vector<16xi32>
          %sub3A_497 = arith.subi %add3A_494, %sub3A_496 : vector<16xi32>
          tpu.vector_store_idx %arg16[%sub3A_497], %get3A_487 masked %ge3A_489 : memref<4096xi32, #tpu.memory_space<vmem>>[vector<16xi32>], vector<16xi32>, vector<16xi1>
          %mul3A_498 = arith.constant 16 : i32
          %mul3A_499 = arith.muli %scan3A_483, %mul3A_498 : i32
          %add3A_500 = vector.broadcast %mul3A_499 : i32 to vector<16xi32>
          %add3A_501 = arith.addi %add3A_500, %iota3A : vector<16xi32>
          tpu.vector_store_idx %arg17[%sub3A_497], %add3A_501 masked %ge3A_489 : memref<4096xi32, #tpu.memory_space<vmem>>[vector<16xi32>], vector<16xi32>, vector<16xi1>
          %reduce_max3A = arith.constant true
          %reduce_max3A_502 = vector.broadcast %reduce_max3A : i1 to vector<16xi1>
          %reduce_max3A_503 = arith.constant -2147483648 : i32
          %reduce_max3A_504 = vector.broadcast %reduce_max3A_503 : i32 to vector<16xi32>
          %reduce_max3A_505 = arith.xori %masked_cumsum3A, %reduce_max3A_504 : vector<16xi32>
          %reduce_max3A_506 = tpu.scan <max>, %reduce_max3A_505 masked %reduce_max3A_502 : vector<16xi32>, vector<16xi1> -> vector<16xi32>
          %reduce_max3A_507 = arith.xori %reduce_max3A_506, %reduce_max3A_504 : vector<16xi32>
          %reduce_max3A_508 = vector.extract %reduce_max3A_507[15] : i32 from vector<16xi32>
          %add3A_509 = arith.addi %scan3A_484, %reduce_max3A_508 : i32
          scf.yield %add3A_509 : i32
        }
        %scan3A_452 = arith.constant 252 : i32
        %scan3A_453 = arith.constant 0 : i32
        %scan3A_454 = arith.constant 0 : i32
        %scan3A_455 = arith.constant 4 : i32
        %scan3A_456 = arith.addi %scan3A_454, %scan3A_455 : i32
        %scan3A_457 = arith.constant 1 : i32
        scf.for %scan3A_483 = %scan3A_454 to %scan3A_456 step %scan3A_457  : i32 {
          %gt3A = arith.constant 0 : i32
          %gt3A_484 = arith.cmpi sgt, %scan3A_483, %gt3A : i32
          %convert_element_type3A_485 = arith.extui %gt3A_484 : i1 to i32
          %cond3A_486 = arith.constant 0 : i32
          %cond3A_487 = arith.cmpi ne, %convert_element_type3A_485, %cond3A_486 : i32
          scf.if %cond3A_487 {
            %scan3A_524 = arith.constant 0 : i32
            %scan3A_525 = arith.constant 0 : i32
            %scan3A_526 = arith.constant 8 : i32
            %scan3A_527 = arith.addi %scan3A_525, %scan3A_526 : i32
            %scan3A_528 = arith.constant 1 : i32
            scf.for %scan3A_548 = %scan3A_525 to %scan3A_527 step %scan3A_528  : i32 {
              %dma_wait3A_549 = arith.constant 0 : i32
              %dma_wait3A_550 = tpu.memref_slice %arg19[%dma_wait3A_549] : memref<32256xf32, #tpu.memory_space<vmem>> -> memref<4032xf32, #tpu.memory_space<vmem>>
              %dma_wait3A_551 = arith.constant 0 : i32
              %dma_wait3A_552 = tpu.memref_slice %arg7[%dma_wait3A_551] : memref<81285120xf32, #tpu.memory_space<hbm>> -> memref<4032xf32, #tpu.memory_space<hbm>>
              %dma_wait3A_553 = arith.constant 0 : i32
              %dma_wait3A_554 = tpu.memref_slice %arg7[%dma_wait3A_553] : memref<81285120xf32, #tpu.memory_space<hbm>> -> memref<4032xf32, #tpu.memory_space<hbm>>
              %dma_wait3A_555 = arith.constant 0 : i32
              %dma_wait3A_556 = tpu.memref_slice %arg19[%dma_wait3A_555] : memref<32256xf32, #tpu.memory_space<vmem>> -> memref<4032xf32, #tpu.memory_space<vmem>>
              tpu.wait_dma2 semaphore(%arg24 : memref<!tpu.dma_semaphore, #tpu.memory_space<semaphore_mem>>) src(%dma_wait3A_556 : memref<4032xf32, #tpu.memory_space<vmem>>) dst(%dma_wait3A_554 : memref<4032xf32, #tpu.memory_space<hbm>>)
            }
            %scan3A_529 = arith.constant 8 : i32
            %scan3A_530 = arith.constant 0 : i32
            %scan3A_531 = arith.constant 0 : i32
            %scan3A_532 = arith.constant 252 : i32
            %scan3A_533 = arith.addi %scan3A_531, %scan3A_532 : i32
            %scan3A_534 = arith.constant 1 : i32
            scf.for %scan3A_548 = %scan3A_531 to %scan3A_533 step %scan3A_534  : i32 {
              %mul3A_549 = arith.constant 16 : i32
              %mul3A_550 = arith.muli %scan3A_548, %mul3A_549 : i32
              %lt3A_551 = arith.cmpi slt, %mul3A_550, %scan3A_451 : i32
              %convert_element_type3A_552 = arith.extui %lt3A_551 : i1 to i32
              %cond3A_553 = arith.constant 0 : i32
              %cond3A_554 = arith.cmpi ne, %convert_element_type3A_552, %cond3A_553 : i32
              scf.if %cond3A_554 {
                %get3A = arith.index_cast %mul3A_550 : i32 to index
                %get3A_555 = tpu.vector_load %arg17[%get3A] {strides = array<i32>} : memref<4096xi32, #tpu.memory_space<vmem>>, vector<16xi32>,
                %add3A_556 = vector.broadcast %mul3A_550 : i32 to vector<16xi32>
                %add3A_557 = arith.addi %add3A_556, %iota3A : vector<16xi32>
                %lt3A_558 = vector.broadcast %scan3A_451 : i32 to vector<16xi32>
                %lt3A_559 = arith.cmpi slt, %add3A_557, %lt3A_558 : vector<16xi32>
                %scan3A_560 = arith.constant 0 : i32
                %scan3A_561 = arith.constant 0 : i32
                %scan3A_562 = arith.constant 8 : i32
                %scan3A_563 = arith.addi %scan3A_561, %scan3A_562 : i32
                %scan3A_564 = arith.constant 1 : i32
                scf.for %scan3A_566 = %scan3A_561 to %scan3A_563 step %scan3A_564  : i32 {
                  %add3A_567 = vector.broadcast %scan3A_566 : i32 to vector<16xi32>
                  %add3A_568 = arith.addi %add3A_567, %broadcast_in_dim3A_5 : vector<16xi32>
                  %mul3A_569 = arith.constant 4032 : i32
                  %mul3A_570 = vector.broadcast %mul3A_569 : i32 to vector<16xi32>
                  %mul3A_571 = arith.muli %add3A_568, %mul3A_570 : vector<16xi32>
                  %add3A_572 = arith.addi %mul3A_571, %get3A_555 : vector<16xi32>
                  tpu.vector_store_idx %arg19[%add3A_572], %broadcast_in_dim3A_3 masked %lt3A_559 : memref<32256xf32, #tpu.memory_space<vmem>>[vector<16xi32>], vector<16xf32>, vector<16xi1>
                }
                %scan3A_565 = arith.constant 8 : i32
              } else {
              }
            }
            %scan3A_535 = arith.constant 252 : i32
            %scan3A_536 = arith.constant 0 : i32
            %scan3A_537 = arith.constant 0 : i32
            %scan3A_538 = arith.constant 8 : i32
            %scan3A_539 = arith.addi %scan3A_537, %scan3A_538 : i32
            %scan3A_540 = arith.constant 1 : i32
            scf.for %scan3A_548 = %scan3A_537 to %scan3A_539 step %scan3A_540  : i32 {
              %dma_wait3A_549 = arith.constant 0 : i32
              %dma_wait3A_550 = tpu.memref_slice %arg20[%dma_wait3A_549] : memref<32256xf32, #tpu.memory_space<vmem>> -> memref<4032xf32, #tpu.memory_space<vmem>>
              %dma_wait3A_551 = arith.constant 0 : i32
              %dma_wait3A_552 = tpu.memref_slice %arg7[%dma_wait3A_551] : memref<81285120xf32, #tpu.memory_space<hbm>> -> memref<4032xf32, #tpu.memory_space<hbm>>
              %dma_wait3A_553 = arith.constant 0 : i32
              %dma_wait3A_554 = tpu.memref_slice %arg7[%dma_wait3A_553] : memref<81285120xf32, #tpu.memory_space<hbm>> -> memref<4032xf32, #tpu.memory_space<hbm>>
              %dma_wait3A_555 = arith.constant 0 : i32
              %dma_wait3A_556 = tpu.memref_slice %arg20[%dma_wait3A_555] : memref<32256xf32, #tpu.memory_space<vmem>> -> memref<4032xf32, #tpu.memory_space<vmem>>
              tpu.wait_dma2 semaphore(%arg25 : memref<!tpu.dma_semaphore, #tpu.memory_space<semaphore_mem>>) src(%dma_wait3A_556 : memref<4032xf32, #tpu.memory_space<vmem>>) dst(%dma_wait3A_554 : memref<4032xf32, #tpu.memory_space<hbm>>)
            }
            %scan3A_541 = arith.constant 8 : i32
            %scan3A_542 = arith.constant 0 : i32
            %scan3A_543 = arith.constant 0 : i32
            %scan3A_544 = arith.constant 252 : i32
            %scan3A_545 = arith.addi %scan3A_543, %scan3A_544 : i32
            %scan3A_546 = arith.constant 1 : i32
            scf.for %scan3A_548 = %scan3A_543 to %scan3A_545 step %scan3A_546  : i32 {
              %mul3A_549 = arith.constant 16 : i32
              %mul3A_550 = arith.muli %scan3A_548, %mul3A_549 : i32
              %lt3A_551 = arith.cmpi slt, %mul3A_550, %scan3A_451 : i32
              %convert_element_type3A_552 = arith.extui %lt3A_551 : i1 to i32
              %cond3A_553 = arith.constant 0 : i32
              %cond3A_554 = arith.cmpi ne, %convert_element_type3A_552, %cond3A_553 : i32
              scf.if %cond3A_554 {
                %get3A = arith.index_cast %mul3A_550 : i32 to index
                %get3A_555 = tpu.vector_load %arg17[%get3A] {strides = array<i32>} : memref<4096xi32, #tpu.memory_space<vmem>>, vector<16xi32>,
                %add3A_556 = vector.broadcast %mul3A_550 : i32 to vector<16xi32>
                %add3A_557 = arith.addi %add3A_556, %iota3A : vector<16xi32>
                %lt3A_558 = vector.broadcast %scan3A_451 : i32 to vector<16xi32>
                %lt3A_559 = arith.cmpi slt, %add3A_557, %lt3A_558 : vector<16xi32>
                %scan3A_560 = arith.constant 0 : i32
                %scan3A_561 = arith.constant 0 : i32
                %scan3A_562 = arith.constant 8 : i32
                %scan3A_563 = arith.addi %scan3A_561, %scan3A_562 : i32
                %scan3A_564 = arith.constant 1 : i32
                scf.for %scan3A_566 = %scan3A_561 to %scan3A_563 step %scan3A_564  : i32 {
                  %add3A_567 = vector.broadcast %scan3A_566 : i32 to vector<16xi32>
                  %add3A_568 = arith.addi %add3A_567, %broadcast_in_dim3A_5 : vector<16xi32>
                  %mul3A_569 = arith.constant 4032 : i32
                  %mul3A_570 = vector.broadcast %mul3A_569 : i32 to vector<16xi32>
                  %mul3A_571 = arith.muli %add3A_568, %mul3A_570 : vector<16xi32>
                  %add3A_572 = arith.addi %mul3A_571, %get3A_555 : vector<16xi32>
                  tpu.vector_store_idx %arg20[%add3A_572], %broadcast_in_dim3A_3 masked %lt3A_559 : memref<32256xf32, #tpu.memory_space<vmem>>[vector<16xi32>], vector<16xf32>, vector<16xi1>
                }
                %scan3A_565 = arith.constant 8 : i32
              } else {
              }
            }
            %scan3A_547 = arith.constant 252 : i32
          } else {
          }
          %mul3A_488 = arith.constant 2 : i32
          %mul3A_489 = arith.muli %mul3A_488, %scan3A_483 : i32
          %scan3A_490 = arith.constant 0 : i32
          %scan3A_491 = arith.constant 0 : i32
          %scan3A_492 = arith.constant 32 : i32
          %scan3A_493 = arith.addi %scan3A_491, %scan3A_492 : i32
          %scan3A_494 = arith.constant 1 : i32
          scf.for %scan3A_524 = %scan3A_491 to %scan3A_493 step %scan3A_494  : i32 {
            %mul3A_525 = arith.constant 128 : i32
            %mul3A_526 = arith.muli %scan3A_524, %mul3A_525 : i32
            %lt3A_527 = arith.cmpi slt, %mul3A_526, %scan3A_451 : i32
            %convert_element_type3A_528 = arith.extui %lt3A_527 : i1 to i32
            %cond3A_529 = arith.constant 0 : i32
            %cond3A_530 = arith.cmpi ne, %convert_element_type3A_528, %cond3A_529 : i32
            scf.if %cond3A_530 {
              %mul3A_531 = arith.constant 128 : i32
              %mul3A_532 = arith.muli %scan3A_524, %mul3A_531 : i32
              %dma_start3A_533 = tpu.memref_slice %arg16[%mul3A_532] : memref<4096xi32, #tpu.memory_space<vmem>> -> memref<128xi32, #tpu.memory_space<vmem>>
              %dma_start3A_534 = arith.constant 0 : i32
              %dma_start3A_535 = arith.constant 0 : i32
              %dma_start3A_536 = tpu.memref_slice %arg5[%dma_start3A_534, %dma_start3A_535] : memref<40960x128xf32, #tpu.memory_space<hbm>> -> memref<40960x128xf32, #tpu.memory_space<hbm>>
              tpu.enqueue_indirect_dma source(%dma_start3A_536 : memref<40960x128xf32, #tpu.memory_space<hbm>>) target(%arg18 : memref<128x128xf32, #tpu.memory_space<vmem>>) offsets(%dma_start3A_533 : memref<128xi32, #tpu.memory_space<vmem>>) semaphore(%arg23 : memref<!tpu.dma_semaphore, #tpu.memory_space<semaphore_mem>>)
              %dma_wait3A_537 = tpu.memref_slice %arg16[%mul3A_532] : memref<4096xi32, #tpu.memory_space<vmem>> -> memref<128xi32, #tpu.memory_space<vmem>>
              %dma_wait3A_538 = arith.constant 0 : i32
              %dma_wait3A_539 = arith.constant 0 : i32
              %dma_wait3A_540 = tpu.memref_slice %arg5[%dma_wait3A_538, %dma_wait3A_539] : memref<40960x128xf32, #tpu.memory_space<hbm>> -> memref<40960x128xf32, #tpu.memory_space<hbm>>
              tpu.wait_indirect_dma semaphore(%arg23 : memref<!tpu.dma_semaphore, #tpu.memory_space<semaphore_mem>>) src(%dma_wait3A_540 : memref<40960x128xf32, #tpu.memory_space<hbm>>) dst(%arg18 : memref<128x128xf32, #tpu.memory_space<vmem>>)
              %scan3A_541 = arith.constant 0 : i32
              %scan3A_542 = arith.constant 0 : i32
              %scan3A_543 = arith.constant 8 : i32
              %scan3A_544 = arith.addi %scan3A_542, %scan3A_543 : i32
              %scan3A_545 = arith.constant 1 : i32
              scf.for %scan3A_547 = %scan3A_542 to %scan3A_544 step %scan3A_545  : i32 {
                %mul3A_548 = arith.constant 128 : i32
                %mul3A_549 = arith.muli %scan3A_524, %mul3A_548 : i32
                %mul3A_550 = arith.constant 16 : i32
                %mul3A_551 = arith.muli %scan3A_547, %mul3A_550 : i32
                %add3A_552 = arith.addi %mul3A_549, %mul3A_551 : i32
                %lt3A_553 = arith.cmpi slt, %add3A_552, %scan3A_451 : i32
                %convert_element_type3A_554 = arith.extui %lt3A_553 : i1 to i32
                %cond3A_555 = arith.constant 0 : i32
                %cond3A_556 = arith.cmpi ne, %convert_element_type3A_554, %cond3A_555 : i32
                scf.if %cond3A_556 {
                  %get3A = arith.index_cast %add3A_552 : i32 to index
                  %get3A_557 = tpu.vector_load %arg17[%get3A] {strides = array<i32>} : memref<4096xi32, #tpu.memory_space<vmem>>, vector<16xi32>,
                  %add3A_558 = vector.broadcast %add3A_552 : i32 to vector<16xi32>
                  %add3A_559 = arith.addi %add3A_558, %iota3A : vector<16xi32>
                  %lt3A_560 = vector.broadcast %scan3A_451 : i32 to vector<16xi32>
                  %lt3A_561 = arith.cmpi slt, %add3A_559, %lt3A_560 : vector<16xi32>
                  %mul3A_562 = arith.constant 16 : i32
                  %mul3A_563 = arith.muli %scan3A_547, %mul3A_562 : i32
                  %add3A_564 = vector.broadcast %mul3A_563 : i32 to vector<16xi32>
                  %add3A_565 = arith.addi %add3A_564, %iota3A : vector<16xi32>
                  %scan3A_566 = arith.constant 0 : i32
                  %scan3A_567 = arith.constant 0 : i32
                  %scan3A_568 = arith.constant 8 : i32
                  %scan3A_569 = arith.addi %scan3A_567, %scan3A_568 : i32
                  %scan3A_570 = arith.constant 1 : i32
                  scf.for %scan3A_572 = %scan3A_567 to %scan3A_569 step %scan3A_570  : i32 {
                    %mul3A_573 = arith.constant 8 : i32
                    %mul3A_574 = arith.muli %mul3A_489, %mul3A_573 : i32
                    %add3A_575 = arith.addi %mul3A_574, %scan3A_572 : i32
                    %add3A_576 = vector.broadcast %add3A_575 : i32 to vector<16xi32>
                    %add3A_577 = arith.addi %add3A_576, %broadcast_in_dim3A_5 : vector<16xi32>
                    %gather3A = tpu.vector_load_idx %arg18[%add3A_565, %add3A_577] : memref<128x128xf32, #tpu.memory_space<vmem>>[vector<16xi32>, vector<16xi32>], vector<16xf32>,
                    %add3A_578 = vector.broadcast %scan3A_572 : i32 to vector<16xi32>
                    %add3A_579 = arith.addi %add3A_578, %broadcast_in_dim3A_5 : vector<16xi32>
                    %mul3A_580 = arith.constant 4032 : i32
                    %mul3A_581 = vector.broadcast %mul3A_580 : i32 to vector<16xi32>
                    %mul3A_582 = arith.muli %add3A_579, %mul3A_581 : vector<16xi32>
                    %add3A_583 = arith.addi %mul3A_582, %get3A_557 : vector<16xi32>
                    tpu.vector_store_idx %arg19[%add3A_583], %gather3A masked %lt3A_561 : memref<32256xf32, #tpu.memory_space<vmem>>[vector<16xi32>], vector<16xf32>, vector<16xi1>
                  }
                  %scan3A_571 = arith.constant 8 : i32
                } else {
                }
              }
              %scan3A_546 = arith.constant 8 : i32
            } else {
            }
          }
          %scan3A_495 = arith.constant 32 : i32
          %mul3A_496 = arith.constant 2 : i32
          %mul3A_497 = arith.muli %mul3A_496, %scan3A_483 : i32
          %scan3A_498 = arith.constant 0 : i32
          %scan3A_499 = arith.constant 0 : i32
          %scan3A_500 = arith.constant 8 : i32
          %scan3A_501 = arith.addi %scan3A_499, %scan3A_500 : i32
          %scan3A_502 = arith.constant 1 : i32
          scf.for %scan3A_524 = %scan3A_499 to %scan3A_501 step %scan3A_502  : i32 {
            %mul3A_525 = arith.constant 64 : i32
            %mul3A_526 = arith.muli %select_n3A, %mul3A_525 : i32
            %mul3A_527 = arith.constant 8 : i32
            %mul3A_528 = arith.muli %mul3A_497, %mul3A_527 : i32
            %add3A_529 = arith.addi %mul3A_526, %mul3A_528 : i32
            %add3A_530 = arith.addi %add3A_529, %scan3A_524 : i32
            %mul3A_531 = arith.constant 504 : i32
            %mul3A_532 = arith.muli %add3A_530, %mul3A_531 : i32
            %mul3A_533 = arith.constant 8 : i32
            %mul3A_534 = arith.muli %select_n3A_439, %mul3A_533 : i32
            %add3A_535 = arith.addi %mul3A_532, %mul3A_534 : i32
            %mul3A_536 = arith.constant 504 : i32
            %mul3A_537 = arith.muli %add3A_535, %mul3A_536 : i32
            %mul3A_538 = arith.constant 4032 : i32
            %mul3A_539 = arith.muli %scan3A_524, %mul3A_538 : i32
            %dma_start3A_540 = tpu.memref_slice %arg19[%mul3A_539] : memref<32256xf32, #tpu.memory_space<vmem>> -> memref<4032xf32, #tpu.memory_space<vmem>>
            %dma_start3A_541 = tpu.memref_slice %arg7[%mul3A_537] : memref<81285120xf32, #tpu.memory_space<hbm>> -> memref<4032xf32, #tpu.memory_space<hbm>>
            %dma_start3A_542 = tpu.memref_slice %arg7[%mul3A_537] : memref<81285120xf32, #tpu.memory_space<hbm>> -> memref<4032xf32, #tpu.memory_space<hbm>>
            %dma_start3A_543 = tpu.memref_slice %arg19[%mul3A_539] : memref<32256xf32, #tpu.memory_space<vmem>> -> memref<4032xf32, #tpu.memory_space<vmem>>
            tpu.enqueue_dma source(%dma_start3A_543 : memref<4032xf32, #tpu.memory_space<vmem>>) target(%dma_start3A_542 : memref<4032xf32, #tpu.memory_space<hbm>>) target_semaphore(%arg24 : memref<!tpu.dma_semaphore, #tpu.memory_space<semaphore_mem>>)
          }
          %scan3A_503 = arith.constant 8 : i32
          %mul3A_504 = arith.constant 2 : i32
          %mul3A_505 = arith.muli %mul3A_504, %scan3A_483 : i32
          %add3A_506 = arith.constant 1 : i32
          %add3A_507 = arith.addi %mul3A_505, %add3A_506 : i32
          %scan3A_508 = arith.constant 0 : i32
          %scan3A_509 = arith.constant 0 : i32
          %scan3A_510 = arith.constant 32 : i32
          %scan3A_511 = arith.addi %scan3A_509, %scan3A_510 : i32
          %scan3A_512 = arith.constant 1 : i32
          scf.for %scan3A_524 = %scan3A_509 to %scan3A_511 step %scan3A_512  : i32 {
            %mul3A_525 = arith.constant 128 : i32
            %mul3A_526 = arith.muli %scan3A_524, %mul3A_525 : i32
            %lt3A_527 = arith.cmpi slt, %mul3A_526, %scan3A_451 : i32
            %convert_element_type3A_528 = arith.extui %lt3A_527 : i1 to i32
            %cond3A_529 = arith.constant 0 : i32
            %cond3A_530 = arith.cmpi ne, %convert_element_type3A_528, %cond3A_529 : i32
            scf.if %cond3A_530 {
              %mul3A_531 = arith.constant 128 : i32
              %mul3A_532 = arith.muli %scan3A_524, %mul3A_531 : i32
              %dma_start3A_533 = tpu.memref_slice %arg16[%mul3A_532] : memref<4096xi32, #tpu.memory_space<vmem>> -> memref<128xi32, #tpu.memory_space<vmem>>
              %dma_start3A_534 = arith.constant 0 : i32
              %dma_start3A_535 = arith.constant 0 : i32
              %dma_start3A_536 = tpu.memref_slice %arg5[%dma_start3A_534, %dma_start3A_535] : memref<40960x128xf32, #tpu.memory_space<hbm>> -> memref<40960x128xf32, #tpu.memory_space<hbm>>
              tpu.enqueue_indirect_dma source(%dma_start3A_536 : memref<40960x128xf32, #tpu.memory_space<hbm>>) target(%arg18 : memref<128x128xf32, #tpu.memory_space<vmem>>) offsets(%dma_start3A_533 : memref<128xi32, #tpu.memory_space<vmem>>) semaphore(%arg23 : memref<!tpu.dma_semaphore, #tpu.memory_space<semaphore_mem>>)
              %dma_wait3A_537 = tpu.memref_slice %arg16[%mul3A_532] : memref<4096xi32, #tpu.memory_space<vmem>> -> memref<128xi32, #tpu.memory_space<vmem>>
              %dma_wait3A_538 = arith.constant 0 : i32
              %dma_wait3A_539 = arith.constant 0 : i32
              %dma_wait3A_540 = tpu.memref_slice %arg5[%dma_wait3A_538, %dma_wait3A_539] : memref<40960x128xf32, #tpu.memory_space<hbm>> -> memref<40960x128xf32, #tpu.memory_space<hbm>>
              tpu.wait_indirect_dma semaphore(%arg23 : memref<!tpu.dma_semaphore, #tpu.memory_space<semaphore_mem>>) src(%dma_wait3A_540 : memref<40960x128xf32, #tpu.memory_space<hbm>>) dst(%arg18 : memref<128x128xf32, #tpu.memory_space<vmem>>)
              %scan3A_541 = arith.constant 0 : i32
              %scan3A_542 = arith.constant 0 : i32
              %scan3A_543 = arith.constant 8 : i32
              %scan3A_544 = arith.addi %scan3A_542, %scan3A_543 : i32
              %scan3A_545 = arith.constant 1 : i32
              scf.for %scan3A_547 = %scan3A_542 to %scan3A_544 step %scan3A_545  : i32 {
                %mul3A_548 = arith.constant 128 : i32
                %mul3A_549 = arith.muli %scan3A_524, %mul3A_548 : i32
                %mul3A_550 = arith.constant 16 : i32
                %mul3A_551 = arith.muli %scan3A_547, %mul3A_550 : i32
                %add3A_552 = arith.addi %mul3A_549, %mul3A_551 : i32
                %lt3A_553 = arith.cmpi slt, %add3A_552, %scan3A_451 : i32
                %convert_element_type3A_554 = arith.extui %lt3A_553 : i1 to i32
                %cond3A_555 = arith.constant 0 : i32
                %cond3A_556 = arith.cmpi ne, %convert_element_type3A_554, %cond3A_555 : i32
                scf.if %cond3A_556 {
                  %get3A = arith.index_cast %add3A_552 : i32 to index
                  %get3A_557 = tpu.vector_load %arg17[%get3A] {strides = array<i32>} : memref<4096xi32, #tpu.memory_space<vmem>>, vector<16xi32>,
                  %add3A_558 = vector.broadcast %add3A_552 : i32 to vector<16xi32>
                  %add3A_559 = arith.addi %add3A_558, %iota3A : vector<16xi32>
                  %lt3A_560 = vector.broadcast %scan3A_451 : i32 to vector<16xi32>
                  %lt3A_561 = arith.cmpi slt, %add3A_559, %lt3A_560 : vector<16xi32>
                  %mul3A_562 = arith.constant 16 : i32
                  %mul3A_563 = arith.muli %scan3A_547, %mul3A_562 : i32
                  %add3A_564 = vector.broadcast %mul3A_563 : i32 to vector<16xi32>
                  %add3A_565 = arith.addi %add3A_564, %iota3A : vector<16xi32>
                  %scan3A_566 = arith.constant 0 : i32
                  %scan3A_567 = arith.constant 0 : i32
                  %scan3A_568 = arith.constant 8 : i32
                  %scan3A_569 = arith.addi %scan3A_567, %scan3A_568 : i32
                  %scan3A_570 = arith.constant 1 : i32
                  scf.for %scan3A_572 = %scan3A_567 to %scan3A_569 step %scan3A_570  : i32 {
                    %mul3A_573 = arith.constant 8 : i32
                    %mul3A_574 = arith.muli %add3A_507, %mul3A_573 : i32
                    %add3A_575 = arith.addi %mul3A_574, %scan3A_572 : i32
                    %add3A_576 = vector.broadcast %add3A_575 : i32 to vector<16xi32>
                    %add3A_577 = arith.addi %add3A_576, %broadcast_in_dim3A_5 : vector<16xi32>
                    %gather3A = tpu.vector_load_idx %arg18[%add3A_565, %add3A_577] : memref<128x128xf32, #tpu.memory_space<vmem>>[vector<16xi32>, vector<16xi32>], vector<16xf32>,
                    %add3A_578 = vector.broadcast %scan3A_572 : i32 to vector<16xi32>
                    %add3A_579 = arith.addi %add3A_578, %broadcast_in_dim3A_5 : vector<16xi32>
                    %mul3A_580 = arith.constant 4032 : i32
                    %mul3A_581 = vector.broadcast %mul3A_580 : i32 to vector<16xi32>
                    %mul3A_582 = arith.muli %add3A_579, %mul3A_581 : vector<16xi32>
                    %add3A_583 = arith.addi %mul3A_582, %get3A_557 : vector<16xi32>
                    tpu.vector_store_idx %arg20[%add3A_583], %gather3A masked %lt3A_561 : memref<32256xf32, #tpu.memory_space<vmem>>[vector<16xi32>], vector<16xf32>, vector<16xi1>
                  }
                  %scan3A_571 = arith.constant 8 : i32
                } else {
                }
              }
              %scan3A_546 = arith.constant 8 : i32
            } else {
            }
          }
          %scan3A_513 = arith.constant 32 : i32
          %mul3A_514 = arith.constant 2 : i32
          %mul3A_515 = arith.muli %mul3A_514, %scan3A_483 : i32
          %add3A_516 = arith.constant 1 : i32
          %add3A_517 = arith.addi %mul3A_515, %add3A_516 : i32
          %scan3A_518 = arith.constant 0 : i32
          %scan3A_519 = arith.constant 0 : i32
          %scan3A_520 = arith.constant 8 : i32
          %scan3A_521 = arith.addi %scan3A_519, %scan3A_520 : i32
          %scan3A_522 = arith.constant 1 : i32
          scf.for %scan3A_524 = %scan3A_519 to %scan3A_521 step %scan3A_522  : i32 {
            %mul3A_525 = arith.constant 64 : i32
            %mul3A_526 = arith.muli %select_n3A, %mul3A_525 : i32
            %mul3A_527 = arith.constant 8 : i32
            %mul3A_528 = arith.muli %add3A_517, %mul3A_527 : i32
            %add3A_529 = arith.addi %mul3A_526, %mul3A_528 : i32
            %add3A_530 = arith.addi %add3A_529, %scan3A_524 : i32
            %mul3A_531 = arith.constant 504 : i32
            %mul3A_532 = arith.muli %add3A_530, %mul3A_531 : i32
            %mul3A_533 = arith.constant 8 : i32
            %mul3A_534 = arith.muli %select_n3A_439, %mul3A_533 : i32
            %add3A_535 = arith.addi %mul3A_532, %mul3A_534 : i32
            %mul3A_536 = arith.constant 504 : i32
            %mul3A_537 = arith.muli %add3A_535, %mul3A_536 : i32
            %mul3A_538 = arith.constant 4032 : i32
            %mul3A_539 = arith.muli %scan3A_524, %mul3A_538 : i32
            %dma_start3A_540 = tpu.memref_slice %arg20[%mul3A_539] : memref<32256xf32, #tpu.memory_space<vmem>> -> memref<4032xf32, #tpu.memory_space<vmem>>
            %dma_start3A_541 = tpu.memref_slice %arg7[%mul3A_537] : memref<81285120xf32, #tpu.memory_space<hbm>> -> memref<4032xf32, #tpu.memory_space<hbm>>
            %dma_start3A_542 = tpu.memref_slice %arg7[%mul3A_537] : memref<81285120xf32, #tpu.memory_space<hbm>> -> memref<4032xf32, #tpu.memory_space<hbm>>
            %dma_start3A_543 = tpu.memref_slice %arg20[%mul3A_539] : memref<32256xf32, #tpu.memory_space<vmem>> -> memref<4032xf32, #tpu.memory_space<vmem>>
            tpu.enqueue_dma source(%dma_start3A_543 : memref<4032xf32, #tpu.memory_space<vmem>>) target(%dma_start3A_542 : memref<4032xf32, #tpu.memory_space<hbm>>) target_semaphore(%arg25 : memref<!tpu.dma_semaphore, #tpu.memory_space<semaphore_mem>>)
          }
          %scan3A_523 = arith.constant 8 : i32
        }
        %scan3A_458 = arith.constant 4 : i32
        %scan3A_459 = arith.constant 0 : i32
        %scan3A_460 = arith.constant 0 : i32
        %scan3A_461 = arith.constant 8 : i32
        %scan3A_462 = arith.addi %scan3A_460, %scan3A_461 : i32
        %scan3A_463 = arith.constant 1 : i32
        scf.for %scan3A_483 = %scan3A_460 to %scan3A_462 step %scan3A_463  : i32 {
          %dma_wait3A_484 = arith.constant 0 : i32
          %dma_wait3A_485 = tpu.memref_slice %arg19[%dma_wait3A_484] : memref<32256xf32, #tpu.memory_space<vmem>> -> memref<4032xf32, #tpu.memory_space<vmem>>
          %dma_wait3A_486 = arith.constant 0 : i32
          %dma_wait3A_487 = tpu.memref_slice %arg7[%dma_wait3A_486] : memref<81285120xf32, #tpu.memory_space<hbm>> -> memref<4032xf32, #tpu.memory_space<hbm>>
          %dma_wait3A_488 = arith.constant 0 : i32
          %dma_wait3A_489 = tpu.memref_slice %arg7[%dma_wait3A_488] : memref<81285120xf32, #tpu.memory_space<hbm>> -> memref<4032xf32, #tpu.memory_space<hbm>>
          %dma_wait3A_490 = arith.constant 0 : i32
          %dma_wait3A_491 = tpu.memref_slice %arg19[%dma_wait3A_490] : memref<32256xf32, #tpu.memory_space<vmem>> -> memref<4032xf32, #tpu.memory_space<vmem>>
          tpu.wait_dma2 semaphore(%arg24 : memref<!tpu.dma_semaphore, #tpu.memory_space<semaphore_mem>>) src(%dma_wait3A_491 : memref<4032xf32, #tpu.memory_space<vmem>>) dst(%dma_wait3A_489 : memref<4032xf32, #tpu.memory_space<hbm>>)
        }
        %scan3A_464 = arith.constant 8 : i32
        %scan3A_465 = arith.constant 0 : i32
        %scan3A_466 = arith.constant 0 : i32
        %scan3A_467 = arith.constant 252 : i32
        %scan3A_468 = arith.addi %scan3A_466, %scan3A_467 : i32
        %scan3A_469 = arith.constant 1 : i32
        scf.for %scan3A_483 = %scan3A_466 to %scan3A_468 step %scan3A_469  : i32 {
          %mul3A_484 = arith.constant 16 : i32
          %mul3A_485 = arith.muli %scan3A_483, %mul3A_484 : i32
          %lt3A_486 = arith.cmpi slt, %mul3A_485, %scan3A_451 : i32
          %convert_element_type3A_487 = arith.extui %lt3A_486 : i1 to i32
          %cond3A_488 = arith.constant 0 : i32
          %cond3A_489 = arith.cmpi ne, %convert_element_type3A_487, %cond3A_488 : i32
          scf.if %cond3A_489 {
            %get3A = arith.index_cast %mul3A_485 : i32 to index
            %get3A_490 = tpu.vector_load %arg17[%get3A] {strides = array<i32>} : memref<4096xi32, #tpu.memory_space<vmem>>, vector<16xi32>,
            %add3A_491 = vector.broadcast %mul3A_485 : i32 to vector<16xi32>
            %add3A_492 = arith.addi %add3A_491, %iota3A : vector<16xi32>
            %lt3A_493 = vector.broadcast %scan3A_451 : i32 to vector<16xi32>
            %lt3A_494 = arith.cmpi slt, %add3A_492, %lt3A_493 : vector<16xi32>
            %scan3A_495 = arith.constant 0 : i32
            %scan3A_496 = arith.constant 0 : i32
            %scan3A_497 = arith.constant 8 : i32
            %scan3A_498 = arith.addi %scan3A_496, %scan3A_497 : i32
            %scan3A_499 = arith.constant 1 : i32
            scf.for %scan3A_501 = %scan3A_496 to %scan3A_498 step %scan3A_499  : i32 {
              %add3A_502 = vector.broadcast %scan3A_501 : i32 to vector<16xi32>
              %add3A_503 = arith.addi %add3A_502, %broadcast_in_dim3A_5 : vector<16xi32>
              %mul3A_504 = arith.constant 4032 : i32
              %mul3A_505 = vector.broadcast %mul3A_504 : i32 to vector<16xi32>
              %mul3A_506 = arith.muli %add3A_503, %mul3A_505 : vector<16xi32>
              %add3A_507 = arith.addi %mul3A_506, %get3A_490 : vector<16xi32>
              tpu.vector_store_idx %arg19[%add3A_507], %broadcast_in_dim3A_3 masked %lt3A_494 : memref<32256xf32, #tpu.memory_space<vmem>>[vector<16xi32>], vector<16xf32>, vector<16xi1>
            }
            %scan3A_500 = arith.constant 8 : i32
          } else {
          }
        }
        %scan3A_470 = arith.constant 252 : i32
        %scan3A_471 = arith.constant 0 : i32
        %scan3A_472 = arith.constant 0 : i32
        %scan3A_473 = arith.constant 8 : i32
        %scan3A_474 = arith.addi %scan3A_472, %scan3A_473 : i32
        %scan3A_475 = arith.constant 1 : i32
        scf.for %scan3A_483 = %scan3A_472 to %scan3A_474 step %scan3A_475  : i32 {
          %dma_wait3A_484 = arith.constant 0 : i32
          %dma_wait3A_485 = tpu.memref_slice %arg20[%dma_wait3A_484] : memref<32256xf32, #tpu.memory_space<vmem>> -> memref<4032xf32, #tpu.memory_space<vmem>>
          %dma_wait3A_486 = arith.constant 0 : i32
          %dma_wait3A_487 = tpu.memref_slice %arg7[%dma_wait3A_486] : memref<81285120xf32, #tpu.memory_space<hbm>> -> memref<4032xf32, #tpu.memory_space<hbm>>
          %dma_wait3A_488 = arith.constant 0 : i32
          %dma_wait3A_489 = tpu.memref_slice %arg7[%dma_wait3A_488] : memref<81285120xf32, #tpu.memory_space<hbm>> -> memref<4032xf32, #tpu.memory_space<hbm>>
          %dma_wait3A_490 = arith.constant 0 : i32
          %dma_wait3A_491 = tpu.memref_slice %arg20[%dma_wait3A_490] : memref<32256xf32, #tpu.memory_space<vmem>> -> memref<4032xf32, #tpu.memory_space<vmem>>
          tpu.wait_dma2 semaphore(%arg25 : memref<!tpu.dma_semaphore, #tpu.memory_space<semaphore_mem>>) src(%dma_wait3A_491 : memref<4032xf32, #tpu.memory_space<vmem>>) dst(%dma_wait3A_489 : memref<4032xf32, #tpu.memory_space<hbm>>)
        }
        %scan3A_476 = arith.constant 8 : i32
        %scan3A_477 = arith.constant 0 : i32
        %scan3A_478 = arith.constant 0 : i32
        %scan3A_479 = arith.constant 252 : i32
        %scan3A_480 = arith.addi %scan3A_478, %scan3A_479 : i32
        %scan3A_481 = arith.constant 1 : i32
        scf.for %scan3A_483 = %scan3A_478 to %scan3A_480 step %scan3A_481  : i32 {
          %mul3A_484 = arith.constant 16 : i32
          %mul3A_485 = arith.muli %scan3A_483, %mul3A_484 : i32
          %lt3A_486 = arith.cmpi slt, %mul3A_485, %scan3A_451 : i32
          %convert_element_type3A_487 = arith.extui %lt3A_486 : i1 to i32
          %cond3A_488 = arith.constant 0 : i32
          %cond3A_489 = arith.cmpi ne, %convert_element_type3A_487, %cond3A_488 : i32
          scf.if %cond3A_489 {
            %get3A = arith.index_cast %mul3A_485 : i32 to index
            %get3A_490 = tpu.vector_load %arg17[%get3A] {strides = array<i32>} : memref<4096xi32, #tpu.memory_space<vmem>>, vector<16xi32>,
            %add3A_491 = vector.broadcast %mul3A_485 : i32 to vector<16xi32>
            %add3A_492 = arith.addi %add3A_491, %iota3A : vector<16xi32>
            %lt3A_493 = vector.broadcast %scan3A_451 : i32 to vector<16xi32>
            %lt3A_494 = arith.cmpi slt, %add3A_492, %lt3A_493 : vector<16xi32>
            %scan3A_495 = arith.constant 0 : i32
            %scan3A_496 = arith.constant 0 : i32
            %scan3A_497 = arith.constant 8 : i32
            %scan3A_498 = arith.addi %scan3A_496, %scan3A_497 : i32
            %scan3A_499 = arith.constant 1 : i32
            scf.for %scan3A_501 = %scan3A_496 to %scan3A_498 step %scan3A_499  : i32 {
              %add3A_502 = vector.broadcast %scan3A_501 : i32 to vector<16xi32>
              %add3A_503 = arith.addi %add3A_502, %broadcast_in_dim3A_5 : vector<16xi32>
              %mul3A_504 = arith.constant 4032 : i32
              %mul3A_505 = vector.broadcast %mul3A_504 : i32 to vector<16xi32>
              %mul3A_506 = arith.muli %add3A_503, %mul3A_505 : vector<16xi32>
              %add3A_507 = arith.addi %mul3A_506, %get3A_490 : vector<16xi32>
              tpu.vector_store_idx %arg20[%add3A_507], %broadcast_in_dim3A_3 masked %lt3A_494 : memref<32256xf32, #tpu.memory_space<vmem>>[vector<16xi32>], vector<16xf32>, vector<16xi1>
            }
            %scan3A_500 = arith.constant 8 : i32
          } else {
          }
        }
        %scan3A_482 = arith.constant 252 : i32
      } else {
      }
    }
    %scan3A_402 = arith.constant 10 : i32
    return
  }
}

</mosaic_0001>

<sc_bundles>
// kernel: _run.3.cloned.1.call-start
scs
__scs_entry_jumppad:
0x0: {  	(pc) =	sbr.rel $0x88, $3  }
0x1: {  	(tag) =	ssettag $0x0;
	lr =	simm.s32 $0x1  }
0x2: {  	[smem:$0x3F9D] =	sst lr;
	_ =	strace $0xD0000000  }
0x3: {  	_ = 	snop  }
0x4: {  	_ = 	snop  }
0x5: {  	_ = 	snop  }
0x6: {  	_ = 	snop  }
0x7: {  	_ = 	snop  }
__scs_overlays_trampoline_lowered:
0x8: {  	[smem:$0x3FAC] =	sst s0  }
0x9: {  	[smem:$0x3FAD] =	sst s1  }
0xa: {  	[smem:$0x3FAE] =	sst s2  }
0xb: {  	[smem:$0x3FAF] =	sst s3  }
0xc: {  	[smem:$0x3FB0] =	sst s4  }
0xd: {  	[smem:$0x3FB1] =	sst s5  }
0xe: {  	[smem:$0x3FB2] =	sst s6  }
0xf: {  	[smem:$0x3FB3] =	sst s7  }
0x10: {  	[smem:$0x3FB4] =	sst s8  }
0x11: {  	[smem:$0x3FB5] =	sst s9;
	s0 =	simm.s32 @!p0 $0x0  }
0x12: {  	s1 =	sld [smem:$0x3F9B];
	s0 =	simm.s32 @p0 $0x1  }
0x13: {  	[smem:$0x3FB6] =	sst s0;
	s0 =	simm.s32 @!p1 $0x0  }
0x14: {  	s2 =	sld [smem:$0x3F9A];
	s0 =	simm.s32 @p1 $0x1  }
0x15: {  	[smem:$0x3FB7] =	sst s0;
	s0 =	simm.s32 @!p2 $0x0  }
0x16: {  	s3 =	sld [smem:$0x3FDB];
	s0 =	simm.s32 @p2 $0x1  }
0x17: {  	s4 =	simm.s32 $0x1BF5;
	[smem:$0x3FB9] =	sst s0  }
0x18: {  	s0 =	sld [smem:$0x3F9C];
	_ =	swait.ge [sflag:s4], $0x0  }
0x19: {  	s7 =	sld [smem:$0x3F9D]  }
0x1a: {  	s8 =	sadd.s32 $0xFFFFE003, lr  }
0x1b: {  	s9 =	sadd.s32 $0xFFFFFEF7, lr;
	s5 =	simm.s32 $0xFFFFFFFF;
	p2 =	slt.u32 s8, $0xFFFFF086  }
0x1c: {  	p1 =	slt.u32 s9, $0xF7A;
	s5 =	simm.s32 @!p2 $0x0  }
0x1d: {  	s5 =	simm.s32 @p1 $0x1;
	p0 =	seq.s32 s7, s2  }
0x1e: {  	s7 =	smul.u32 @!p0 $0xF7A, s2;
	p2 =	seq.s32 @!p0 s5, $0x0  }
0x1f: {  	s9 =	smul.u32 $0xF7A, s1;
	s8 =	simm.s32 @!p0 $0x1BF5;
	p2 =	por !p2, p0  }
0x20: {  	[sflag:s8] =	ssyncset.s32 @!p0 $0xFFFFF086;
	s6 =	sadd.s32 @!p0 s3, s7;
	s7 =	simm.s32 @!p0 $0x108  }
0x21: {  	s3 =	sadd.s32 s3, s9;
	s6 =	sadd.s32 @!p0 $0x88, s6;
	s7 =	simm.s32 @p2 $0x1082  }
0x22: {  	[simem:s7], [sflag:s8] =	dma.local @!p0 [hbm:s6], $0xF7A  }
0x23: {  	s9 =	sor.u32 $0xD0000000, s2;
	s6 =	simm.s32 $0x108;
	_ =	swait.ge @!p0 [sflag:s8], $0x0  }
0x24: {  	s3 =	sadd.s32 $0x88, s3;
	s6 =	simm.s32 @!p1 $0x1082;
	[sflag:s4] =	ssyncset.s32 $0xFFFFF086  }
0x25: {  	[simem:s6], [sflag:s4] =	dma.local [hbm:s3], $0xF7A  }
0x26: {  	[smem:$0x3F9D] =	sst s1;
	(tag) =	ssettag s2;
	_ =	strace s9  }
0x27: {  	s1 =	sld [smem:$0x3FAD]  }
0x28: {  	s2 =	sld [smem:$0x3FAE]  }
0x29: {  	s4 =	sld [smem:$0x3FB0]  }
0x2a: {  	p0 =	seq.s32 s5, $0x0;
	s5 =	sld [smem:$0x3FB1]  }
0x2b: {  	s6 =	sld [smem:$0x3FB2]  }
0x2c: {  	s7 =	sld [smem:$0x3FB3]  }
0x2d: {  	s3 =	simm.s32 $0x108;
	s8 =	sld [smem:$0x3FB4]  }
0x2e: {  	s3 =	simm.s32 @!p0 $0x1082;
	s9 =	sld [smem:$0x3FB5]  }
0x2f: {  	lr =	sadd.s32 s0, s3;
	s0 =	sld [smem:$0x3FAC]  }
0x30: {  	s3 =	sld [smem:$0x3FAF]  }
0x31: {  	[smem:$0x3FB8] =	sst s10  }
0x32: {  	s10 =	sld [smem:$0x3FB6];
	_ =	sdelay $0x3  }
0x33: {  	p0 =	seq.s32 s10, $0x1;
	s10 =	sld [smem:$0x3FB8];
	_ =	sdelay $0x3  }
0x34: {  	[smem:$0x3FB8] =	sst s10  }
0x35: {  	s10 =	sld [smem:$0x3FB7];
	_ =	sdelay $0x3  }
0x36: {  	p1 =	seq.s32 s10, $0x1;
	s10 =	sld [smem:$0x3FB8];
	_ =	sdelay $0x3  }
0x37: {  	[smem:$0x3FB8] =	sst s10  }
0x38: {  	s10 =	sld [smem:$0x3FB9]  }
0x39: {  	_ = 	snop;
	(pc) =	sbr.ind lr, $3  }
0x3a: {  	_ = 	snop  }
0x3b: {  	_ = 	snop  }
0x3c: {  	p2 =	seq.s32 s10, $0x1;
	s10 =	sld [smem:$0x3FB8]  }
0x3d: {  	_ =	shalt  }
0x3e: {  	_ =	shalt  }
0x3f: {  	_ =	shalt  }
0x40: {  	_ =	shalt  }
0x41: {  	_ =	shalt  }
0x42: {  	_ =	shalt  }
0x43: {  	_ =	shalt  }
0x44: {  	_ =	shalt  }
0x45: {  	_ =	shalt  }
0x46: {  	_ =	shalt  }
0x47: {  	_ =	shalt  }
0x48: {  	_ =	shalt  }
0x49: {  	_ =	shalt  }
0x4a: {  	_ =	shalt  }
0x4b: {  	_ =	shalt  }
0x4c: {  	_ =	shalt  }
0x4d: {  	_ =	shalt  }
0x4e: {  	_ =	shalt  }
0x4f: {  	_ =	shalt  }
0x50: {  	_ =	shalt  }
0x51: {  	_ =	shalt  }
0x52: {  	_ =	shalt  }
0x53: {  	_ =	shalt  }
0x54: {  	_ =	shalt  }
0x55: {  	_ =	shalt  }
0x56: {  	_ =	shalt  }
0x57: {  	_ =	shalt  }
0x58: {  	_ =	shalt  }
0x59: {  	_ =	shalt  }
0x5a: {  	_ =	shalt  }
0x5b: {  	_ =	shalt  }
0x5c: {  	_ =	shalt  }
0x5d: {  	_ =	shalt  }
0x5e: {  	_ =	shalt  }
0x5f: {  	_ =	shalt  }
0x60: {  	_ =	shalt  }
0x61: {  	_ =	shalt  }
0x62: {  	_ =	shalt  }
0x63: {  	_ =	shalt  }
0x64: {  	_ =	shalt  }
0x65: {  	_ =	shalt  }
0x66: {  	_ =	shalt  }
0x67: {  	_ =	shalt  }
0x68: {  	_ =	shalt  }
0x69: {  	_ =	shalt  }
0x6a: {  	_ =	shalt  }
0x6b: {  	_ =	shalt  }
0x6c: {  	_ =	shalt  }
0x6d: {  	_ =	shalt  }
0x6e: {  	_ =	shalt  }
0x6f: {  	_ =	shalt  }
0x70: {  	_ =	shalt  }
0x71: {  	_ =	shalt  }
0x72: {  	_ =	shalt  }
0x73: {  	_ =	shalt  }
0x74: {  	_ =	shalt  }
0x75: {  	_ =	shalt  }
0x76: {  	_ =	shalt  }
0x77: {  	_ =	shalt  }
0x78: {  	_ =	shalt  }
0x79: {  	_ =	shalt  }
0x7a: {  	_ =	shalt  }
0x7b: {  	_ =	shalt  }
0x7c: {  	_ =	shalt  }
0x7d: {  	_ =	shalt  }
0x7e: {  	_ =	shalt  }
0x7f: {  	_ =	shalt  }
0x80: {  	_ =	shalt  }
0x81: {  	_ =	shalt  }
0x82: {  	_ =	shalt  }
0x83: {  	_ =	shalt  }
0x84: {  	_ =	shalt  }
0x85: {  	_ =	shalt  }
0x86: {  	_ =	shalt  }
0x87: {  	_ =	shalt  }
.Lfunc_end0:
.L_simem_size_0:
called_computation_lowered:
.L_overlay_start_0:
0x88: {  	s2 =	sld [smem:$0x3FD9]  }
0x89: {  	s3 =	sld [smem:$0x3FFE];
	_ =	sdelay $0x1  }
0x8a: {  	s1 =	srdreg.scid  }
0x8b: {  	s0 =	sand.u32 $0x1, s1  }
0x8c: {  	s17 =	sshll.u32 s0, $0xA;
	s2 =	sadd.s32 s3, s2  }
0x8d: {  	s2 =	sadd.s32 s2, s17  }
0x8e: {  	[smem:$0x3FC4] =	sst s2  }
0x8f: {  	_ = 	snop  }
0x90: {  	s2 =	sld [smem:$0x3FC9]  }
0x91: {  	s18 =	sld [smem:$0x3FC8]  }
0x92: {  	s4 =	sld [smem:$0x3FC7]  }
0x93: {  	s5 =	sld [smem:$0x3FC6]  }
0x94: {  	s6 =	sld [smem:$0x3FD0];
	(tm) =	ssettm $0x1  }
0x95: {  	s7 =	sld [smem:$0x3FFB];
	_ =	sdelay $0x3  }
0x96: {  	_ =	strace s7  }
0x97: {  	s7 =	sld [smem:$0x3FFC];
	_ =	sdelay $0x3  }
0x98: {  	_ =	strace s7  }
0x99: {  	s7 =	sld [smem:$0x3FFD];
	_ =	sdelay $0x3  }
0x9a: {  	_ =	strace s7  }
0x9b: {  	_ =	strace $0x8FFFFFFF  }
0x9c: {  	s19 =	sld [smem:$0x3FDB];
	_ =	sdelay $0x1  }
0x9d: {  	s8 =	simm.s32 $_scs_section_size  }
0x9e: {  	s9 =	simm.s32 $_size__tile_overlayer_lowered;
	s10 =	simm.s32 $_tile_overlayer_lowered  }
0x9f: {  	s22 =	simm.s32 $0x1BFF;
	s21 =	sshll.u32 s10, $0x1;
	s7 =	sadd.s32 s8, s19  }
0xa0: {  	s11 =	simm.s32 $0x0;
	s20 =	sshll.u32 s9, $0x1;
	s9 =	sadd.s32 s21, s7  }
0xa1: {  	[timem:s11], [sflag:s22] =	dma.local [hbm:s9], s20  }
0xa2: {  	_ =	swait.ge [sflag:s22], s20  }
0xa3: {  	s8 =	ssub.s32 $0x0, s20;
	[sflag:s22] =	ssyncset.done $0x0  }
0xa4: {  	[sflag:s22] =	ssyncadd.s32 s8;
	_ =	sdelay $0x1  }
0xa5: {  	s23 =	simm.s32 $0x1B8B  }
0xa6: {  	_ =	swait.ge [sflag:s23], $0x1  }
0xa7: {  	[sflag:s23] =	ssyncset.done $0x0  }
0xa8: {  	s25 =	simm.s32 $0x1B8E;
	s24 =	sld [smem:$0x3FFE];
	[sflag:s23] =	ssyncadd.s32 $0xFFFFFFFF  }
0xa9: {  	s26 =	simm.s32 $execute0_lowered;
	[smem:$0x3FD2] =	sst s25  }
0xaa: {  	s9 =	sshll.u32 s26, $0x1;
	_ =	strace $0x80000046;
	[dreg:$0x1] =	wrdreg $0xFFFFFFFF  }
0xab: {  	s28 =	simm.s32 $_size_execute0_lowered;
	s7 =	sadd.s32 s7, s9;
	[dreg:$0x0] =	wrdreg $0x0  }
0xac: {  	s9 =	sshll.u32 s28, $0x1;
	[dreg:$0x2] =	wrdreg s7  }
0xad: {  	[dreg:$0x3] =	wrdreg s9  }
0xae: {  	[dreg:$0x4] =	wrdreg $0xC0  }
0xaf: {  	_ =	task [dreg:s11], $0x5FFFF  }
0xb0: {  	[dreg:$0x1] =	wrdreg $0xFFFFFFFF  }
0xb1: {  	[dreg:$0x0] =	wrdreg $0x60  }
0xb2: {  	[dreg:$0x2] =	wrdreg s2  }
0xb3: {  	[dreg:$0x3] =	wrdreg s18  }
0xb4: {  	[dreg:$0x4] =	wrdreg s4  }
0xb5: {  	[dreg:$0x5] =	wrdreg s5  }
0xb6: {  	[dreg:$0x6] =	wrdreg s6  }
0xb7: {  	[dreg:$0x7] =	wrdreg s24  }
0xb8: {  	[dreg:$0x8] =	wrdreg $0x9  }
0xb9: {  	_ =	task.clear_ibuf [dreg:s11], $0x9FFFF;
	_ =	strace $0x90000046  }
0xba: {  	s29 =	simm.s32 $0x9;
	_ =	strace $0x80000048  }
0xbb: {  	_ =	swait.ge [sflag:s29], $0x1  }
0xbc: {  	[sflag:s29] =	ssyncadd.s32 $0xFFFFFFFF  }
0xbd: {  	_ =	strace $0x90000048  }
0xbe: {  	_ =	sfence  }
0xbf: {  	s30 =	sld [smem:$0x0];
	_ =	sdelay $0x2  }
0xc0: {  	s31 =	sshll.u32 s1, $0xD;
	s1 =	sshrl.u32 s1, $0x2  }
0xc1: {  	s3 =	sand.u32 $0x4000, s31;
	s1 =	sadd.s32 s1, s30  }
0xc2: {  	s0 =	sor.u32 s3, s0;
	s1 =	sshll.u32 s1, $0x11  }
0xc3: {  	s0 =	sor.u32 s1, s0  }
0xc4: {  	s0 =	sadd.s32 $0x8F2B, s0  }
0xc5: {  	[sflag:s0] =	ssyncadd.remote.s32 $0x1  }
0xc6: {  	_ =	sfence.sel $0xFFFF  }
0xc7: {  	[dreg:$0x0] =	wrdreg $0xFFFFFFFF;
	(pc) =	sbr.abs _section_cstart, $3  }
0xc8: {  	[dreg:$0x1] =	wrdreg $0xFFFFFFFF  }
0xc9: {  	_ =	task.clear_ibuf [dreg:s11], $0x2FFFF;
	_ =	strace $0x9FFFFFFF  }
0xca: {  	(tm) =	ssettm $0x7FFFFFFF  }
0xcb: {  	_ =	shalt  }
tec
execute0_lowered:
.L_overlay_start_1:
0x0: {  	(tag) =	ssettag $0x1  }
0x1: {  	s1 =	rddreg [dreg:$0x0]  }
0x2: {  	s2 =	rddreg [dreg:$0x1]  }
0x3: {  	s3 =	rddreg [dreg:$0x2]  }
0x4: {  	s0 =	rddreg [dreg:$0x3]  }
0x5: {  	s11 =	rddreg [dreg:$0x4];
	s4 =	srdreg.scid  }
0x6: {  	s5 =	rddreg [dreg:$0x5];
	s8 =	stileid.u32;
	s6 =	simm.s32 $0x0  }
0x7: {  	s16 =	simm.s32 $0x2;
	s31 =	simm.s32 $0x9280;
	s13 =	simm.s32 $0x17080  }
0x8: {  	s30 =	simm.s32 $0x4;
	s29 =	simm.s32 $0x0;
	s17 =	smul.u32 $0x13680, s8  }
0x9: {  	s12 =	sand.u32 $0x1, s4;
	[smem:$0x7FF] =	sst s6;
	s14 =	smul.u32 $0xA00, s8  }
0xa: {  	s15 =	sshll.u32 s8, $0x1;
	_ =	strace $0x80000047;
	[dreg:$0x13] =	wrdreg s29  }
0xb: {  	s9 =	smul.u32 $0x136800, s12;
	s18 =	ssub.s32 $0x2, s12;
	[dreg:$0x7] =	wrdreg s12  }
0xc: {  	s7 =	sadd.s32 $0x800, s5;
	[dreg:$0xb] =	wrdreg s15;
	s19 =	sshrl.u32 s18, $0x1  }
0xd: {  	s24 =	sshrl.u32 s14, $0x3;
	[dreg:$0xa] =	wrdreg s14;
	s4 =	sadd.s32 s17, s9  }
0xe: {  	s20 =	ssub.s32 s18, s19;
	s1 =	sadd.s32 s1, s24;
	[dreg:$0x8] =	wrdreg s9  }
0xf: {  	s25 =	sadd.s32 s2, s24;
	s26 =	sadd.s32 s3, s24;
	[dreg:$0xf] =	wrdreg s1  }
0x10: {  	s17 =	simm.s32 $0x8200;
	s2 =	simm.s32 $0xB280;
	[dreg:$0x10] =	wrdreg s25  }
0x11: {  	s4 =	sshrl.u32 s4, $0x3;
	[dreg:$0x11] =	wrdreg s26;
	s28 =	smax.u32 s20, $0x1  }
.Ltmp0:
0x12: {  	s10 =	sadd.s32 s11, s4;
	[dreg:$0x12] =	wrdreg s28;
	(pc) =	sbr.rel .LBB2_1-.Ltmp0, $4  }
0x13: {  	s18 =	simm.s32 $0x3;
	s21 =	sadd.s32 $0x9B4, s10;
	[dreg:$0x9] =	wrdreg s10  }
0x14: {  	s19 =	simm.s32 $0x5;
	s22 =	sadd.s32 $0x1368, s10;
	[dreg:$0xc] =	wrdreg s21  }
0x15: {  	v1 =	vimm.s32 $0xFFFFFFFF;
	v2 =	vlaneseq.u32;
	v3 =	vimm.f32 $0.0e+00;
	s1 =	simm.s32 $0xA280;
	s23 =	sadd.s32 $0x1D1C, s10;
	[dreg:$0xd] =	wrdreg s22  }
0x16: {  	v4 =	vimm.s32 $0x0;
	v5 =	vmul.u32 $0x80, v2;
	v0 =	vmov s9;
	s20 =	simm.s32 $0xF280;
	[dreg:$0xe] =	wrdreg s23;
	s23 =	simm.s32 $0x80  }
.LBB2_49:
0x17: {  	s4 =	rddreg [dreg:$0x13]  }
0x18: {  	s3 =	rddreg [dreg:$0x12];
	s4 =	sadd.s32 $0x1, s4  }
0x19: {  	p0 =	sne.s32 s4, s3  }
.Ltmp1:
0x1a: {  	_ = 	snop;
	(pc) =	sbr.rel @!p0 .LBB2_50-.Ltmp1, $2  }
0x1b: {  	_ =	sdelay $0x2  }
0x1c: {  	[dreg:$0x13] =	wrdreg s4  }
.LBB2_1:
0x1d: {  	s3 =	simm.s32 $0x40;
	s4 =	simm.s32 $0x0  }
.LBB2_2:
0x1e: {  	p0 =	sne.s32 s3, $0x13640;
	[tilespmem:s4+$0x0] =	vst v1;
	s4 =	smov.u32 s3;
	s3 =	sadd.s32 $0x40, s3  }
.Ltmp2:
0x1f: {  	(pc) =	sbr.rel @p0 .LBB2_2-.Ltmp2, $2  }
0x20: {  	_ =	sdelay $0x2  }
0x21: {  	s4 =	sshra.s32 s4, $0x2  }
0x22: {  	[tilespmem:s4+$0x0] =	vst v1;
	s3 =	simm.s32 $0x0;
	s25 =	rddreg [dreg:$0x9]  }
0x23: {  	[hbm4b:s25+s3] =	stream.linear.scatter [tilespmem:s3], [sflag:$0x1], $0x4DA0, $0x38;
	[tilespmem:$0x1EE80] =	vst v63  }
0x24: {  	s26 =	rddreg [dreg:$0xc]  }
0x25: {  	[hbm4b:s26+s3] =	stream.linear.scatter [tilespmem:s3], [sflag:$0x1], $0x4DA0, $0x38;
	[tilespmem:$0x1EE80] =	vst v63  }
0x26: {  	s28 =	rddreg [dreg:$0xd]  }
0x27: {  	[hbm4b:s28+s3] =	stream.linear.scatter [tilespmem:s3], [sflag:$0x1], $0x4DA0, $0x38;
	[tilespmem:$0x1EE80] =	vst v63  }
0x28: {  	s29 =	rddreg [dreg:$0xe];
	s4 =	simm.s32 $0x40;
	s5 =	simm.s32 $0x0  }
0x29: {  	[hbm4b:s29+s3] =	stream.linear.scatter [tilespmem:s3], [sflag:$0x1], $0x4DA0, $0x38;
	[tilespmem:$0x1EE80] =	vst v63  }
.LBB2_4:
0x2a: {  	p0 =	sne.s32 s4, $0x1F7C0;
	[tilespmem:s5+$0xF280] =	vst v3;
	s5 =	smov.u32 s4;
	s4 =	sadd.s32 $0x40, s4  }
.Ltmp3:
0x2b: {  	(pc) =	sbr.rel @p0 .LBB2_4-.Ltmp3, $2  }
0x2c: {  	_ =	sdelay $0x2  }
0x2d: {  	s5 =	sshra.s32 s5, $0x2  }
0x2e: {  	[tilespmem:s5+$0xF280] =	vst v3  }
.LBB2_6:
0x2f: {  	p0 =	sne.s32 s3, $0x1F7C0  }
.Ltmp4:
0x30: {  	_ = 	snop;
	(pc) =	sbr.rel @p0 .LBB2_6-.Ltmp4, $3  }
0x31: {  	_ =	sdelay $0x1  }
0x32: {  	s4 =	sshra.s32 s3, $0x2  }
0x33: {  	s3 =	sadd.s32 $0x40, s3;
	[tilespmem:s4+$0x17080] =	vst v3  }
0x34: {  	s3 =	simm.s32 $0x40;
	s4 =	simm.s32 $0x0  }
.LBB2_8:
0x35: {  	p0 =	sne.s32 s3, $0x3FC0;
	[tilespmem:s4+$0x9280] =	vst v4;
	s5 =	smov.u32 s3;
	s3 =	sadd.s32 $0x40, s3  }
.Ltmp5:
0x36: {  	[tilespmem:s4+$0xA280] =	vst v4;
	(pc) =	sbr.rel @p0 .LBB2_8-.Ltmp5, $2  }
0x37: {  	_ =	sdelay $0x2  }
0x38: {  	s4 =	sshra.s32 s5, $0x2  }
0x39: {  	[tilespmem:s4+$0x9280] =	vst v4;
	s3 =	simm.s32 $0x0  }
0x3a: {  	[tilespmem:s4+$0xA280] =	vst v4;
	s21 =	rddreg [dreg:$0xf];
	s5 =	simm.s32 $0x4E00;
	s22 =	simm.s32 $0x6  }
0x3b: {  	[tilespmem:s5], [sflag:$0x6] =	stream.linear.gather [hbm4b:s21+s3], $0xA00, $0x38;
	[tilespmem:$0x1EE80] =	vst v63  }
0x3c: {  	_ =	swait.ge [sflag:s22], $0xA00  }
0x3d: {  	[sflag:s22] =	ssyncset.done $0x0  }
0x3e: {  	s6 =	simm.s32 $0x5800;
	s24 =	rddreg [dreg:$0x10];
	[sflag:s22] =	ssyncadd.s32 $0xFFFFF600  }
0x3f: {  	[tilespmem:s6], [sflag:$0x6] =	stream.linear.gather [hbm4b:s24+s3], $0xA00, $0x38;
	[tilespmem:$0x1EE80] =	vst v63  }
0x40: {  	_ =	swait.ge [sflag:s22], $0xA00  }
0x41: {  	[sflag:s22] =	ssyncset.done $0x0  }
0x42: {  	s26 =	simm.s32 $0x6200;
	s25 =	rddreg [dreg:$0x11];
	[sflag:s22] =	ssyncadd.s32 $0xFFFFF600  }
0x43: {  	[tilespmem:s26], [sflag:$0x6] =	stream.linear.gather [hbm4b:s25+s3], $0xA00, $0x38;
	[tilespmem:$0x1EE80] =	vst v63  }
0x44: {  	_ =	swait.ge [sflag:s22], $0xA00  }
0x45: {  	[sflag:s22] =	ssyncset.done $0x0  }
0x46: {  	s4 =	simm.s32 $0x0;
	[sflag:s22] =	ssyncadd.s32 $0xFFFFF600  }
0x47: {  	v6 =	vld [tilespmem:s4+$0x4E00]  }
0x48: {  	v7 =	vld [tilespmem:s4+$0x5800];
	_ =	sdelay $0x2  }
0x49: {  	v8 =	vld [tilespmem:s4+$0x6200]  }
0x4a: {  	v6 =	vmul.u32 $0x3E040, v6  }
0x4b: {  	v7 =	vmul.u32 $0x1F8, v7  }
0x4c: {  	s28 =	sand.u32 $0x3E00, s3;
	v6 =	vadd.s32 v0, v6  }
0x4d: {  	s29 =	sand.u32 $0x70, s3;
	s5 =	sshrl.u32 s28, $0x2;
	v6 =	vadd.s32 v7, v6  }
0x4e: {  	s9 =	sadd.s32 $0x0, s14;
	s6 =	sor.u32 s29, s5;
	v6 =	vadd.s32 v8, v6  }
0x4f: {  	s10 =	simm.s32 $0x10;
	s8 =	simm.s32 $0x80;
	s5 =	simm.s32 $0x40;
	[tilespmem:s6+$0x7600] =	vst v6;
	v6 =	vor.u32 s9, v2  }
.LBB2_10:
0x50: {  	p0 =	sne.s32 s8, $0x27C0;
	v7 =	vld [tilespmem:s10+$0x4E00];
	[tilespmem:s4+$0x6C00] =	vst v6;
	s4 =	smov.u32 s10  }
0x51: {  	v6 =	vld [tilespmem:s4+$0x5800];
	_ =	sdelay $0x2  }
0x52: {  	v8 =	vld [tilespmem:s4+$0x6200]  }
0x53: {  	v7 =	vmul.u32 $0x3E040, v7  }
.Ltmp6:
0x54: {  	v6 =	vmul.u32 $0x1F8, v6;
	(pc) =	sbr.rel @p0 .LBB2_10-.Ltmp6, $4  }
0x55: {  	s6 =	sand.u32 $0x3E00, s5;
	s3 =	sadd.s32 $0x10, s3;
	s5 =	smov.u32 s8;
	v7 =	vadd.s32 v0, v7  }
0x56: {  	s9 =	sand.u32 $0x70, s3;
	s6 =	sshrl.u32 s6, $0x2;
	v6 =	vadd.s32 v6, v7  }
0x57: {  	s6 =	sor.u32 s9, s6;
	s9 =	sadd.s32 s3, s14;
	v6 =	vadd.s32 v8, v6  }
0x58: {  	s8 =	sadd.s32 $0x40, s8;
	s10 =	sshra.s32 s5, $0x2;
	[tilespmem:s6+$0x7600] =	vst v6;
	v6 =	vor.u32 s9, v2  }
0x59: {  	v7 =	vld [tilespmem:s10+$0x4E00];
	[tilespmem:s4+$0x6C00] =	vst v6  }
0x5a: {  	v6 =	vld [tilespmem:s10+$0x5800];
	_ =	sdelay $0x2  }
0x5b: {  	v8 =	vld [tilespmem:s10+$0x6200]  }
0x5c: {  	v7 =	vmul.u32 $0x3E040, v7  }
0x5d: {  	v6 =	vmul.u32 $0x1F8, v6  }
0x5e: {  	s21 =	sand.u32 $0x3E00, s5;
	s3 =	sadd.s32 $0x10, s3;
	v7 =	vadd.s32 v0, v7  }
0x5f: {  	s22 =	sand.u32 $0x70, s3;
	s4 =	sshrl.u32 s21, $0x2;
	v6 =	vadd.s32 v6, v7  }
0x60: {  	s3 =	sadd.s32 s3, s14;
	s4 =	sor.u32 s22, s4;
	v6 =	vadd.s32 v8, v6  }
0x61: {  	[tilespmem:s4+$0x7600] =	vst v6;
	v6 =	vor.u32 s3, v2  }
0x62: {  	s24 =	simm.s32 $0x1;
	[tilespmem:s10+$0x6C00] =	vst v6  }
0x63: {  	_ =	swait.ge [sflag:s24], $0x4DA0  }
0x64: {  	[sflag:s24] =	ssyncset.done $0x0  }
0x65: {  	[sflag:s24] =	ssyncadd.s32 $0xFFFFB260  }
0x66: {  	_ =	swait.ge [sflag:s24], $0x4DA0  }
0x67: {  	[sflag:s24] =	ssyncset.done $0x0  }
0x68: {  	[sflag:s24] =	ssyncadd.s32 $0xFFFFB260  }
0x69: {  	_ =	swait.ge [sflag:s24], $0x4DA0  }
0x6a: {  	[sflag:s24] =	ssyncset.done $0x0  }
0x6b: {  	[sflag:s24] =	ssyncadd.s32 $0xFFFFB260  }
0x6c: {  	_ =	swait.ge [sflag:s24], $0x4DA0  }
0x6d: {  	[sflag:s24] =	ssyncset.done $0x0  }
0x6e: {  	[sflag:s24] =	ssyncadd.s32 $0xFFFFB260  }
0x6f: {  	s25 =	simm.s32 $0x7600;
	s26 =	simm.s32 $0x6C00;
	[bflag:$0x0] =	sbarrier.arrive $0xFFFF  }
0x70: {  	[hbm4b:s11+s23] =	stream.indirect.scatter [tilespmem:s26], [sflag:$0x2], $0x1, s25, s23, $0xb8;
	[tilespmem:$0x1EE80] =	vst v63  }
0x71: {  	s28 =	simm.s32 $0x7680;
	s29 =	simm.s32 $0x6C80  }
0x72: {  	[hbm4b:s11+s23] =	stream.indirect.scatter [tilespmem:s29], [sflag:$0x2], $0x1, s28, s23, $0xb8;
	[tilespmem:$0x1EE80] =	vst v63  }
0x73: {  	s5 =	simm.s32 $0x7700;
	s6 =	simm.s32 $0x6D00  }
0x74: {  	[hbm4b:s11+s23] =	stream.indirect.scatter [tilespmem:s6], [sflag:$0x2], $0x1, s5, s23, $0xb8;
	[tilespmem:$0x1EE80] =	vst v63  }
0x75: {  	s8 =	simm.s32 $0x7780;
	s9 =	simm.s32 $0x6D80  }
0x76: {  	[hbm4b:s11+s23] =	stream.indirect.scatter [tilespmem:s9], [sflag:$0x2], $0x1, s8, s23, $0xb8;
	[tilespmem:$0x1EE80] =	vst v63  }
0x77: {  	s21 =	simm.s32 $0x6E00;
	s10 =	simm.s32 $0x7800  }
0x78: {  	[hbm4b:s11+s23] =	stream.indirect.scatter [tilespmem:s21], [sflag:$0x2], $0x1, s10, s23, $0xb8;
	[tilespmem:$0x1EE80] =	vst v63  }
0x79: {  	s22 =	simm.s32 $0x7880;
	s24 =	simm.s32 $0x6E80  }
0x7a: {  	[hbm4b:s11+s23] =	stream.indirect.scatter [tilespmem:s24], [sflag:$0x2], $0x1, s22, s23, $0xb8;
	[tilespmem:$0x1EE80] =	vst v63  }
0x7b: {  	s25 =	simm.s32 $0x7900;
	s26 =	simm.s32 $0x6F00  }
0x7c: {  	[hbm4b:s11+s23] =	stream.indirect.scatter [tilespmem:s26], [sflag:$0x2], $0x1, s25, s23, $0xb8;
	[tilespmem:$0x1EE80] =	vst v63  }
0x7d: {  	s28 =	simm.s32 $0x7980;
	s29 =	simm.s32 $0x6F80  }
0x7e: {  	[hbm4b:s11+s23] =	stream.indirect.scatter [tilespmem:s29], [sflag:$0x2], $0x1, s28, s23, $0xb8;
	[tilespmem:$0x1EE80] =	vst v63  }
0x7f: {  	s5 =	simm.s32 $0x7A00;
	s6 =	simm.s32 $0x7000  }
0x80: {  	[hbm4b:s11+s23] =	stream.indirect.scatter [tilespmem:s6], [sflag:$0x2], $0x1, s5, s23, $0xb8;
	[tilespmem:$0x1EE80] =	vst v63  }
0x81: {  	s8 =	simm.s32 $0x7A80;
	s9 =	simm.s32 $0x7080  }
0x82: {  	[hbm4b:s11+s23] =	stream.indirect.scatter [tilespmem:s9], [sflag:$0x2], $0x1, s8, s23, $0xb8;
	[tilespmem:$0x1EE80] =	vst v63  }
0x83: {  	s10 =	simm.s32 $0x7B00;
	s21 =	simm.s32 $0x7100  }
0x84: {  	[hbm4b:s11+s23] =	stream.indirect.scatter [tilespmem:s21], [sflag:$0x2], $0x1, s10, s23, $0xb8;
	[tilespmem:$0x1EE80] =	vst v63  }
0x85: {  	s22 =	simm.s32 $0x7B80;
	s24 =	simm.s32 $0x7180  }
0x86: {  	[hbm4b:s11+s23] =	stream.indirect.scatter [tilespmem:s24], [sflag:$0x2], $0x1, s22, s23, $0xb8;
	[tilespmem:$0x1EE80] =	vst v63  }
0x87: {  	s25 =	simm.s32 $0x7C00;
	s26 =	simm.s32 $0x7200  }
0x88: {  	[hbm4b:s11+s23] =	stream.indirect.scatter [tilespmem:s26], [sflag:$0x2], $0x1, s25, s23, $0xb8;
	[tilespmem:$0x1EE80] =	vst v63  }
0x89: {  	s28 =	simm.s32 $0x7C80;
	s29 =	simm.s32 $0x7280  }
0x8a: {  	[hbm4b:s11+s23] =	stream.indirect.scatter [tilespmem:s29], [sflag:$0x2], $0x1, s28, s23, $0xb8;
	[tilespmem:$0x1EE80] =	vst v63  }
0x8b: {  	s5 =	simm.s32 $0x7D00;
	s6 =	simm.s32 $0x7300  }
0x8c: {  	[hbm4b:s11+s23] =	stream.indirect.scatter [tilespmem:s6], [sflag:$0x2], $0x1, s5, s23, $0xb8;
	[tilespmem:$0x1EE80] =	vst v63  }
0x8d: {  	s8 =	simm.s32 $0x7D80;
	s9 =	simm.s32 $0x7380  }
0x8e: {  	[hbm4b:s11+s23] =	stream.indirect.scatter [tilespmem:s9], [sflag:$0x2], $0x1, s8, s23, $0xb8;
	[tilespmem:$0x1EE80] =	vst v63  }
0x8f: {  	s10 =	simm.s32 $0x7E00;
	s21 =	simm.s32 $0x7400  }
0x90: {  	[hbm4b:s11+s23] =	stream.indirect.scatter [tilespmem:s21], [sflag:$0x2], $0x1, s10, s23, $0xb8;
	[tilespmem:$0x1EE80] =	vst v63  }
0x91: {  	s22 =	simm.s32 $0x7E80;
	s24 =	simm.s32 $0x7480  }
0x92: {  	[hbm4b:s11+s23] =	stream.indirect.scatter [tilespmem:s24], [sflag:$0x2], $0x1, s22, s23, $0xb8;
	[tilespmem:$0x1EE80] =	vst v63  }
0x93: {  	s25 =	simm.s32 $0x7F00;
	s26 =	simm.s32 $0x7500  }
0x94: {  	[hbm4b:s11+s23] =	stream.indirect.scatter [tilespmem:s26], [sflag:$0x2], $0x1, s25, s23, $0xb8;
	[tilespmem:$0x1EE80] =	vst v63  }
0x95: {  	s28 =	simm.s32 $0x7F80;
	s29 =	simm.s32 $0x7580  }
0x96: {  	[hbm4b:s11+s23] =	stream.indirect.scatter [tilespmem:s29], [sflag:$0x2], $0x1, s28, s23, $0xb8;
	[tilespmem:$0x1EE80] =	vst v63  }
0x97: {  	_ =	swait.ge [sflag:s16], $0x80  }
0x98: {  	[sflag:s16] =	ssyncset.done $0x0  }
0x99: {  	[sflag:s16] =	ssyncadd.s32 $0xFFFFFF80  }
0x9a: {  	_ =	swait.ge [sflag:s16], $0x80  }
0x9b: {  	[sflag:s16] =	ssyncset.done $0x0  }
0x9c: {  	[sflag:s16] =	ssyncadd.s32 $0xFFFFFF80  }
0x9d: {  	_ =	swait.ge [sflag:s16], $0x80  }
0x9e: {  	[sflag:s16] =	ssyncset.done $0x0  }
0x9f: {  	[sflag:s16] =	ssyncadd.s32 $0xFFFFFF80  }
0xa0: {  	_ =	swait.ge [sflag:s16], $0x80  }
0xa1: {  	[sflag:s16] =	ssyncset.done $0x0  }
0xa2: {  	[sflag:s16] =	ssyncadd.s32 $0xFFFFFF80  }
0xa3: {  	_ =	swait.ge [sflag:s16], $0x80  }
0xa4: {  	[sflag:s16] =	ssyncset.done $0x0  }
0xa5: {  	[sflag:s16] =	ssyncadd.s32 $0xFFFFFF80  }
0xa6: {  	_ =	swait.ge [sflag:s16], $0x80  }
0xa7: {  	[sflag:s16] =	ssyncset.done $0x0  }
0xa8: {  	[sflag:s16] =	ssyncadd.s32 $0xFFFFFF80  }
0xa9: {  	_ =	swait.ge [sflag:s16], $0x80  }
0xaa: {  	[sflag:s16] =	ssyncset.done $0x0  }
0xab: {  	[sflag:s16] =	ssyncadd.s32 $0xFFFFFF80  }
0xac: {  	_ =	swait.ge [sflag:s16], $0x80  }
0xad: {  	[sflag:s16] =	ssyncset.done $0x0  }
0xae: {  	[sflag:s16] =	ssyncadd.s32 $0xFFFFFF80  }
0xaf: {  	_ =	swait.ge [sflag:s16], $0x80  }
0xb0: {  	[sflag:s16] =	ssyncset.done $0x0  }
0xb1: {  	[sflag:s16] =	ssyncadd.s32 $0xFFFFFF80  }
0xb2: {  	_ =	swait.ge [sflag:s16], $0x80  }
0xb3: {  	[sflag:s16] =	ssyncset.done $0x0  }
0xb4: {  	[sflag:s16] =	ssyncadd.s32 $0xFFFFFF80  }
0xb5: {  	_ =	swait.ge [sflag:s16], $0x80  }
0xb6: {  	[sflag:s16] =	ssyncset.done $0x0  }
0xb7: {  	[sflag:s16] =	ssyncadd.s32 $0xFFFFFF80  }
0xb8: {  	_ =	swait.ge [sflag:s16], $0x80  }
0xb9: {  	[sflag:s16] =	ssyncset.done $0x0  }
0xba: {  	[sflag:s16] =	ssyncadd.s32 $0xFFFFFF80  }
0xbb: {  	_ =	swait.ge [sflag:s16], $0x80  }
0xbc: {  	[sflag:s16] =	ssyncset.done $0x0  }
0xbd: {  	[sflag:s16] =	ssyncadd.s32 $0xFFFFFF80  }
0xbe: {  	_ =	swait.ge [sflag:s16], $0x80  }
0xbf: {  	[sflag:s16] =	ssyncset.done $0x0  }
0xc0: {  	[sflag:s16] =	ssyncadd.s32 $0xFFFFFF80  }
0xc1: {  	_ =	swait.ge [sflag:s16], $0x80  }
0xc2: {  	[sflag:s16] =	ssyncset.done $0x0  }
0xc3: {  	[sflag:s16] =	ssyncadd.s32 $0xFFFFFF80  }
0xc4: {  	_ =	swait.ge [sflag:s16], $0x80  }
0xc5: {  	[sflag:s16] =	ssyncset.done $0x0  }
0xc6: {  	[sflag:s16] =	ssyncadd.s32 $0xFFFFFF80  }
0xc7: {  	_ =	swait.ge [sflag:s16], $0x80  }
0xc8: {  	[sflag:s16] =	ssyncset.done $0x0  }
0xc9: {  	[sflag:s16] =	ssyncadd.s32 $0xFFFFFF80  }
0xca: {  	_ =	swait.ge [sflag:s16], $0x80  }
0xcb: {  	[sflag:s16] =	ssyncset.done $0x0  }
0xcc: {  	[sflag:s16] =	ssyncadd.s32 $0xFFFFFF80  }
0xcd: {  	_ =	swait.ge [sflag:s16], $0x80  }
0xce: {  	[sflag:s16] =	ssyncset.done $0x0  }
0xcf: {  	[sflag:s16] =	ssyncadd.s32 $0xFFFFFF80  }
0xd0: {  	_ =	swait.ge [sflag:s16], $0x80  }
0xd1: {  	[sflag:s16] =	ssyncset.done $0x0  }
0xd2: {  	s4 =	simm.s32 $0x0;
	s3 =	simm.s32 $0x0;
	[sflag:s16] =	ssyncadd.s32 $0xFFFFFF80  }
.LBB2_12:
0xd3: {  	s5 =	sshll.u32 s3, $0x7  }
0xd4: {  	s6 =	sadd.s32 $0x7600, s5  }
0xd5: {  	[tilespmem:s17], [sflag:$0x2] =	stream.indirect.gather [hbm4b:s11+s23], $0x1, s6, s23, $0xb8;
	[tilespmem:$0x1EE80] =	vst v63  }
0xd6: {  	_ =	swait.ge [sflag:s16], $0x80  }
0xd7: {  	[sflag:s16] =	ssyncset.done $0x0  }
0xd8: {  	[sflag:s16] =	ssyncadd.s32 $0xFFFFFF80  }
0xd9: {  	v6 =	vld [tilespmem:$0x8200]  }
0xda: {  	v7 =	vld [tilespmem:s5+$0x6C00]  }
0xdb: {  	v8 =	vld [tilespmem:$0x8210]  }
0xdc: {  	v9 =	vld [tilespmem:s5+$0x6C10]  }
0xdd: {  	v10 =	vld [tilespmem:$0x8220]  }
0xde: {  	v11 =	vld [tilespmem:s5+$0x6C20]  }
0xdf: {  	v12 =	vld [tilespmem:$0x8230]  }
0xe0: {  	v13 =	vld [tilespmem:s5+$0x6C30]  }
0xe1: {  	v14 =	vld [tilespmem:$0x8240]  }
0xe2: {  	v15 =	vld [tilespmem:s5+$0x6C40]  }
0xe3: {  	v16 =	vld [tilespmem:$0x8250]  }
0xe4: {  	v17 =	vld [tilespmem:s5+$0x6C50]  }
0xe5: {  	v18 =	vld [tilespmem:$0x8260]  }
0xe6: {  	v61 =	vld [tilespmem:$0x8270];
	vm0 =	vne.s32 v6, v7  }
0xe7: {  	v6 =	vld [tilespmem:s5+$0x6C60];
	vm9 =	vne.s32 v8, v9;
	v7 =	vsel vm0, $0x1, v4  }
0xe8: {  	v62 =	vld [tilespmem:s5+$0x6C70];
	vm10 =	vne.s32 v10, v11;
	(xrf0) =	vadd.scan.msk.s32 $0xffff, v7;
	v7 =	vsel vm9, $0x1, v4  }
0xe9: {  	vm11 =	vne.s32 v12, v13;
	v10 =	vsel vm10, $0x1, v4;
	(xrf0) =	vadd.scan.msk.s32 $0xffff, v7  }
0xea: {  	vm12 =	vne.s32 v14, v15;
	vm13 =	vne.s32 v16, v17;
	v7 =	vsel vm11, $0x1, v4;
	(xrf0) =	vadd.scan.msk.s32 $0xffff, v10  }
0xeb: {  	v63 =	vsel vm12, $0x1, v4;
	(xrf0) =	vadd.scan.msk.s32 $0xffff, v7;
	v7 =	vsel vm13, $0x1, v4  }
0xec: {  	vm14 =	vne.s32 v18, v6;
	(xrf0) =	vadd.scan.msk.s32 $0xffff, v63  }
0xed: {  	vm15 =	vne.s32 v61, v62;
	v6 =	vsel vm14, $0x1, v4;
	(xrf0) =	vadd.scan.msk.s32 $0xffff, v7  }
0xee: {  	v7, _, _ =	vpop (xrf0);
	(xrf0) =	vadd.scan.msk.s32 $0xffff, v6;
	v6 =	vsel vm15, $0x1, v4;
	_ =	sdelay $0x1  }
0xef: {  	(v2sf) =	vpush v7, $0xF;
	v7, _, _ =	vpop (xrf0);
	(xrf0) =	vadd.scan.msk.s32 $0xffff, v6  }
0xf0: {  	(v2sf) =	vpush v7, $0xF;
	v6, _, _ =	vpop (xrf0)  }
0xf1: {  	v7, _, _ =	vpop (xrf0);
	(v2sf) =	vpush v6, $0xF  }
0xf2: {  	v6, _, _ =	vpop (xrf0);
	(v2sf) =	vpush v7, $0xF  }
0xf3: {  	v7, _, _ =	vpop (xrf0);
	(v2sf) =	vpush v6, $0xF  }
0xf4: {  	v6, _, _ =	vpop (xrf0);
	(v2sf) =	vpush v7, $0xF  }
0xf5: {  	(v2sf) =	vpush v6, $0xF;
	v6, _, _ =	vpop (xrf0)  }
0xf6: {  	(v2sf) =	vpush v6, $0xF;
	_ =	sdelay $0x7  }
0xf7: {  	s10 =	spop (v2sf)  }
0xf8: {  	s21 =	spop (v2sf);
	s4 =	sadd.s32 s4, s10  }
0xf9: {  	s4 =	sadd.s32 s4, s21;
	s22 =	spop (v2sf)  }
0xfa: {  	s24 =	spop (v2sf);
	s4 =	sadd.s32 s4, s22  }
0xfb: {  	s25 =	spop (v2sf);
	s4 =	sadd.s32 s4, s24  }
0xfc: {  	s26 =	spop (v2sf);
	s4 =	sadd.s32 s4, s25  }
0xfd: {  	s28 =	spop (v2sf);
	s4 =	sadd.s32 s4, s26  }
0xfe: {  	s3 =	sadd.s32 $0x1, s3;
	s4 =	sadd.s32 s4, s28;
	s29 =	spop (v2sf)  }
0xff: {  	p0 =	seq.s32 s3, $0x14;
	s4 =	sadd.s32 s4, s29  }
0x100: {  	p1 =	slt.s32 @p0 s4, $0x1  }
0x101: {  	p1 =	por !p0, !p1  }
.Ltmp7:
0x102: {  	_ = 	snop;
	(pc) =	sbr.rel @p1 .LBB2_12-.Ltmp7, $2  }
0x103: {  	_ =	sdelay $0x2  }
0x104: {  	s3 =	simm.s32 @p0 $0x0;
	s4 =	simm.s32 @p0 $0x0  }
.Ltmp8:
0x105: {  	(pc) =	sbr.rel .LBB2_14-.Ltmp8, $3  }
0x106: {  	_ =	sdelay $0x1  }
0x107: {  	[bflag:$0x0] =	sbarrier.arrive $0xFFFF  }
0x108: {  	s4 =	simm.s32 $0x0  }
.LBB2_48:
0x109: {  	s4 =	sadd.s32 $0x1, s4  }
0x10a: {  	p0 =	sne.s32 s4, $0xA  }
.Ltmp9:
0x10b: {  	_ = 	snop;
	(pc) =	sbr.rel @!p0 .LBB2_49-.Ltmp9, $1  }
0x10c: {  	_ =	sdelay $0x3  }
.LBB2_14:
0x10d: {  	s3 =	sshll.u32 s4, $0x5  }
0x10e: {  	s3 =	sor.u32 s3, s15  }
0x10f: {  	s3 =	sor.u32 s12, s3  }
0x110: {  	p0 =	sgt.u32 s3, $0x13A  }
.Ltmp10:
0x111: {  	_ = 	snop;
	(pc) =	sbr.rel @p0 .LBB2_48-.Ltmp10, $1  }
0x112: {  	_ =	sdelay $0x3  }
0x113: {  	s21 =	smul.u32 $0x411, s3;
	_ =	sdelay $0x1  }
0x114: {  	[dreg:$0x14] =	wrdreg s4;
	s4 =	sshrl.u32 s21, $0x10  }
0x115: {  	s5 =	ssub.s32 s3, s4  }
0x116: {  	s5 =	sand.u32 $0xFFFE, s5  }
0x117: {  	s5 =	sshrl.u32 s5, $0x1  }
0x118: {  	s4 =	sadd.s32 s4, s5  }
0x119: {  	s4 =	sand.u32 $0xFFE0, s4  }
0x11a: {  	s8 =	sshrl.u32 s4, $0x5  }
0x11b: {  	s4 =	smul.u32 $0x3F, s8;
	_ =	sdelay $0x1  }
0x11c: {  	s22 =	ssub.s32 s3, s4  }
0x11d: {  	s24 =	smul.u32 $0x3E040, s8;
	s3 =	sand.u32 $0xFFFF, s22  }
0x11e: {  	s6 =	rddreg [dreg:$0x8];
	s25 =	smul.u32 $0xFC0, s3  }
0x11f: {  	s4 =	sadd.s32 s6, s24  }
0x120: {  	s4 =	sadd.s32 s25, s4  }
0x121: {  	s10 =	simm.s32 $0x0;
	s4 =	sshrl.u32 s4, $0x3  }
0x122: {  	s28 =	simm.s32 $0x8280;
	s29 =	simm.s32 $0x6;
	s26 =	sadd.s32 s11, s4  }
0x123: {  	[tilespmem:s28], [sflag:$0x6] =	stream.linear.gather [hbm4b:s26+s10], $0xFC0, $0x38;
	[tilespmem:$0x1EE80] =	vst v63  }
0x124: {  	_ =	swait.ge [sflag:s29], $0xFC0  }
0x125: {  	[sflag:s29] =	ssyncset.done $0x0  }
0x126: {  	[sflag:s29] =	ssyncadd.s32 $0xFFFFF040  }
0x127: {  	v6 =	vld [tilespmem:s28+$0x0];
	_ =	sdelay $0x4  }
0x128: {  	vm0 =	vgt.s32 v6, $0xFFFFFFFF  }
0x129: {  	v7 =	vsel vm0, $0x1, v4  }
0x12a: {  	(xrf0) =	vadd.scan.msk.s32 $0xffff, v7;
	_ =	sdelay $0x5  }
0x12b: {  	v8, _, _ =	vpop (xrf0)  }
0x12c: {  	v9 =	vxor.u32 $0x80000000, v8  }
0x12d: {  	v7 =	vmov s10;
	(xrf0) =	vmax.scan.msk.u32 $0xffff, v9  }
0x12e: {  	v7 =	vadd.s32 $0xFFFFFFFF, v7  }
0x12f: {  	v7 =	vbroadcast v7, $0x0;
	_ =	sdelay $0x1  }
0x130: {  	v7 =	vadd.s32 v8, v7;
	_ =	sdelay $0x1  }
0x131: {  	v8, _, _ =	vpop (xrf0)  }
0x132: {  	(v2sf) =	vpush v8, $0xF;
	_ =	sdelay $0x1  }
0x133: {  	[tilespmem:v7+s31+$0x0] =	vst.idx.msk vm0, v6;
	v6 =	vor.u32 s10, v2  }
0x134: {  	s11 =	simm.s32 $0x8290;
	[tilespmem:v7+s1+$0x0] =	vst.idx.msk vm0, v6  }
0x135: {  	s12 =	simm.s32 $0x20;
	s5 =	simm.s32 $0x10;
	v6 =	vld [tilespmem:s11+$0x0]  }
.LBB2_16:
0x136: {  	p0 =	seq.s32 s12, $0xFB0;
	_ =	sdelay $0x3  }
0x137: {  	vm0 =	vgt.s32 v6, $0xFFFFFFFF  }
0x138: {  	v7 =	vsel vm0, $0x1, v4  }
0x139: {  	(xrf0) =	vadd.scan.msk.s32 $0xffff, v7;
	_ =	sdelay $0x3  }
0x13a: {  	s4 =	spop (v2sf)  }
0x13b: {  	s4 =	sadd.s32 s4, s10  }
0x13c: {  	v7, _, _ =	vpop (xrf0);
	s10 =	sadd.s32 $0x80000000, s4  }
0x13d: {  	v8 =	vmov s10;
	v9 =	vxor.u32 $0x80000000, v7  }
0x13e: {  	v8 =	vadd.s32 $0xFFFFFFFF, v8;
	(xrf0) =	vmax.scan.msk.u32 $0xffff, v9  }
0x13f: {  	v8 =	vbroadcast v8, $0x0;
	_ =	sdelay $0x1  }
0x140: {  	v7 =	vadd.s32 v7, v8;
	_ =	sdelay $0x2  }
0x141: {  	v8, _, _ =	vpop (xrf0)  }
.Ltmp11:
0x142: {  	(v2sf) =	vpush v8, $0xF;
	(pc) =	sbr.rel @!p0 .LBB2_16-.Ltmp11, $4  }
0x143: {  	[tilespmem:v7+s31+$0x0] =	vst.idx.msk vm0, v6;
	v6 =	vor.u32 s5, v2;
	s5 =	smov.u32 s12  }
0x144: {  	[tilespmem:v7+s1+$0x0] =	vst.idx.msk vm0, v6  }
0x145: {  	s11 =	sadd.s32 $0x10, s11  }
0x146: {  	s12 =	sadd.s32 $0x10, s12;
	v6 =	vld [tilespmem:s11+$0x0]  }
0x147: {  	_ =	sdelay $0x3  }
0x148: {  	vm0 =	vgt.s32 v6, $0xFFFFFFFF  }
0x149: {  	v7 =	vsel vm0, $0x1, v4  }
0x14a: {  	(xrf0) =	vadd.scan.msk.s32 $0xffff, v7;
	_ =	sdelay $0x5  }
0x14b: {  	v7, _, _ =	vpop (xrf0)  }
0x14c: {  	v8 =	vxor.u32 $0x80000000, v7  }
0x14d: {  	(xrf0) =	vmax.scan.msk.u32 $0xffff, v8;
	_ =	sdelay $0x5  }
0x14e: {  	v8, _, _ =	vpop (xrf0)  }
0x14f: {  	(v2sf) =	vpush v8, $0xF;
	_ =	sdelay $0x4  }
0x150: {  	s4 =	spop (v2sf)  }
0x151: {  	s4 =	sadd.s32 s4, s10  }
0x152: {  	s4 =	sadd.s32 $0x80000000, s4  }
0x153: {  	v8 =	vmov s4  }
0x154: {  	v8 =	vadd.s32 $0xFFFFFFFF, v8  }
0x155: {  	v8 =	vbroadcast v8, $0x0;
	_ =	sdelay $0x1  }
0x156: {  	v7 =	vadd.s32 v7, v8  }
0x157: {  	s3 =	sshll.u32 s3, $0x3  }
.Ltmp12:
0x158: {  	s29 =	sshll.u32 s8, $0x6;
	s14 =	simm.s32 $0x0;
	(pc) =	sbr.rel .LBB2_18-.Ltmp12, $4  }
0x159: {  	s15 =	simm.s32 $0x8;
	s16 =	simm.s32 $0x0;
	s6 =	spop (v2sf)  }
0x15a: {  	s21 =	sadd.s32 $0x1F8, s3;
	s24 =	sadd.s32 $0x3F0, s3;
	s4 =	sadd.s32 s6, s4  }
0x15b: {  	s25 =	sadd.s32 $0x5E8, s3;
	s26 =	sadd.s32 $0x7E0, s3;
	[tilespmem:v7+s31+$0x0] =	vst.idx.msk vm0, v6;
	v6 =	vor.u32 s5, v2;
	s10 =	sadd.s32 $0x80000000, s4  }
0x15c: {  	s28 =	sadd.s32 $0x9D8, s3;
	s11 =	sadd.s32 $0xBD0, s3;
	s12 =	sadd.s32 $0xDC8, s3;
	[tilespmem:v7+s1+$0x0] =	vst.idx.msk vm0, v6;
	v6 =	vmov s10  }
.LBB2_42:
0x15d: {  	s4 =	sadd.s32 s29, s17  }
0x15e: {  	s4 =	smul.u32 $0x1F8, s4;
	_ =	sdelay $0x1  }
0x15f: {  	s5 =	sadd.s32 s3, s4  }
0x160: {  	s6 =	sadd.s32 s21, s4;
	s5 =	smul.u32 $0x1F8, s5  }
0x161: {  	s6 =	smul.u32 $0x1F8, s6  }
0x162: {  	s8 =	simm.s32 $0x0;
	s5 =	sshrl.u32 s5, $0x3  }
0x163: {  	s22 =	sadd.s32 s24, s4;
	s17 =	sshrl.u32 s6, $0x3;
	s5 =	sadd.s32 s7, s5  }
0x164: {  	[hbm4b:s5+s8] =	stream.linear.scatter [tilespmem:s13], [sflag:$0x5], $0xFC0, $0x38;
	[tilespmem:$0x1EE80] =	vst v63  }
0x165: {  	s9 =	simm.s32 $0x18040;
	s6 =	smul.u32 $0x1F8, s22;
	s5 =	sadd.s32 s7, s17  }
0x166: {  	[hbm4b:s5+s8] =	stream.linear.scatter [tilespmem:s9], [sflag:$0x5], $0xFC0, $0x38;
	[tilespmem:$0x1EE80] =	vst v63  }
0x167: {  	s22 =	simm.s32 $0x19000;
	s17 =	sadd.s32 s25, s4;
	s9 =	sshrl.u32 s6, $0x3  }
0x168: {  	s6 =	smul.u32 $0x1F8, s17;
	s17 =	sadd.s32 s26, s4;
	s5 =	sadd.s32 s7, s9  }
0x169: {  	[hbm4b:s5+s8] =	stream.linear.scatter [tilespmem:s22], [sflag:$0x5], $0xFC0, $0x38;
	[tilespmem:$0x1EE80] =	vst v63  }
0x16a: {  	s16 =	sadd.s32 $0x1, s16;
	s9 =	sshrl.u32 s6, $0x3;
	s6 =	smul.u32 $0x1F8, s17  }
0x16b: {  	s22 =	simm.s32 $0x19FC0;
	s17 =	sadd.s32 s28, s4;
	s5 =	sadd.s32 s7, s9  }
0x16c: {  	[hbm4b:s5+s8] =	stream.linear.scatter [tilespmem:s22], [sflag:$0x5], $0xFC0, $0x38;
	[tilespmem:$0x1EE80] =	vst v63  }
0x16d: {  	s9 =	sshrl.u32 s6, $0x3;
	s6 =	smul.u32 $0x1F8, s17;
	s22 =	simm.s32 $0x1AF80  }
0x16e: {  	s17 =	sadd.s32 s11, s4;
	s4 =	sadd.s32 s12, s4;
	s5 =	sadd.s32 s7, s9  }
0x16f: {  	[hbm4b:s5+s8] =	stream.linear.scatter [tilespmem:s22], [sflag:$0x5], $0xFC0, $0x38;
	[tilespmem:$0x1EE80] =	vst v63  }
0x170: {  	p0 =	seq.s32 s16, $0x4;
	s4 =	smul.u32 $0x1F8, s4;
	s9 =	sshrl.u32 s6, $0x3  }
0x171: {  	s6 =	smul.u32 $0x1F8, s17;
	s22 =	simm.s32 $0x1BF40;
	s5 =	sadd.s32 s7, s9  }
0x172: {  	[hbm4b:s5+s8] =	stream.linear.scatter [tilespmem:s22], [sflag:$0x5], $0xFC0, $0x38;
	[tilespmem:$0x1EE80] =	vst v63  }
.Ltmp13:
0x173: {  	s14 =	sadd.s32 $0x10, s14;
	s9 =	sshrl.u32 s6, $0x3;
	(pc) =	sbr.rel @p0 .LBB2_43-.Ltmp13, $4  }
0x174: {  	s17 =	simm.s32 $0x1CF00;
	s4 =	sshrl.u32 s4, $0x3;
	s5 =	sadd.s32 s7, s9  }
0x175: {  	[hbm4b:s5+s8] =	stream.linear.scatter [tilespmem:s17], [sflag:$0x5], $0xFC0, $0x38;
	[tilespmem:$0x1EE80] =	vst v63  }
0x176: {  	s15 =	sadd.s32 $0x10, s15;
	s4 =	sadd.s32 s7, s4;
	s22 =	simm.s32 $0x1DEC0  }
0x177: {  	[hbm4b:s4+s8] =	stream.linear.scatter [tilespmem:s22], [sflag:$0x5], $0xFC0, $0x38;
	[tilespmem:$0x1EE80] =	vst v63  }
.LBB2_18:
0x178: {  	p0 =	seq.s32 s16, $0x0  }
.Ltmp14:
0x179: {  	_ = 	snop;
	(pc) =	sbr.rel @p0 .LBB2_24-.Ltmp14, $1  }
0x17a: {  	_ =	sdelay $0x3  }
0x17b: {  	_ =	swait.ge [sflag:s30], $0xFC0  }
0x17c: {  	[sflag:s30] =	ssyncset.done $0x0  }
0x17d: {  	[sflag:s30] =	ssyncadd.s32 $0xFFFFF040  }
0x17e: {  	_ =	swait.ge [sflag:s30], $0xFC0  }
0x17f: {  	[sflag:s30] =	ssyncset.done $0x0  }
0x180: {  	[sflag:s30] =	ssyncadd.s32 $0xFFFFF040  }
0x181: {  	_ =	swait.ge [sflag:s30], $0xFC0  }
0x182: {  	[sflag:s30] =	ssyncset.done $0x0  }
0x183: {  	[sflag:s30] =	ssyncadd.s32 $0xFFFFF040  }
0x184: {  	_ =	swait.ge [sflag:s30], $0xFC0  }
0x185: {  	[sflag:s30] =	ssyncset.done $0x0  }
0x186: {  	[sflag:s30] =	ssyncadd.s32 $0xFFFFF040  }
0x187: {  	_ =	swait.ge [sflag:s30], $0xFC0  }
0x188: {  	[sflag:s30] =	ssyncset.done $0x0  }
0x189: {  	[sflag:s30] =	ssyncadd.s32 $0xFFFFF040  }
0x18a: {  	_ =	swait.ge [sflag:s30], $0xFC0  }
0x18b: {  	[sflag:s30] =	ssyncset.done $0x0  }
0x18c: {  	[sflag:s30] =	ssyncadd.s32 $0xFFFFF040  }
0x18d: {  	_ =	swait.ge [sflag:s30], $0xFC0  }
0x18e: {  	[sflag:s30] =	ssyncset.done $0x0  }
0x18f: {  	[sflag:s30] =	ssyncadd.s32 $0xFFFFF040  }
0x190: {  	_ =	swait.ge [sflag:s30], $0xFC0  }
0x191: {  	[sflag:s30] =	ssyncset.done $0x0  }
0x192: {  	s5 =	simm.s32 $0xA280;
	p0 =	sle.s32 s10, $0x0;
	[sflag:s30] =	ssyncadd.s32 $0xFFFFF040  }
0x193: {  	v8 =	vld @!p0 [tilespmem:s5+$0x0]  }
0x194: {  	s4 =	simm.s32 $0x0;
	v7 =	vlaneseq.u32 @!p0  }
0x195: {  	v7 =	vor.u32 @!p0 s4, v7  }
0x196: {  	vm0 =	vlt.s32 @!p0 v7, v6;
	_ =	sdelay $0x1  }
0x197: {  	v9 =	vadd.s32 @!p0 $0xFC0, v8  }
0x198: {  	v10 =	vadd.s32 @!p0 $0x1F80, v8  }
0x199: {  	v11 =	vadd.s32 @!p0 $0x2F40, v8  }
0x19a: {  	s4 =	simm.s32 @!p0 $0xF280;
	v7 =	vimm.f32 @!p0 $0.0e+00;
	v12 =	vadd.s32 @!p0 $0x3F00, v8  }
0x19b: {  	v13 =	vadd.s32 @!p0 $0x4EC0, v8;
	[tilespmem:v8+s4+$0x0] =	vst.idx.msk @!p0 vm0, v7  }
0x19c: {  	v14 =	vadd.s32 @!p0 $0x5E80, v8;
	[tilespmem:v9+s4+$0x0] =	vst.idx.msk @!p0 vm0, v7  }
0x19d: {  	v8 =	vadd.s32 @!p0 $0x6E40, v8;
	[tilespmem:v10+s4+$0x0] =	vst.idx.msk @!p0 vm0, v7  }
0x19e: {  	[tilespmem:v11+s4+$0x0] =	vst.idx.msk @!p0 vm0, v7  }
0x19f: {  	[tilespmem:v12+s4+$0x0] =	vst.idx.msk @!p0 vm0, v7  }
0x1a0: {  	[tilespmem:v13+s4+$0x0] =	vst.idx.msk @!p0 vm0, v7  }
0x1a1: {  	s8 =	simm.s32 $0x10;
	s17 =	simm.s32 $0x20;
	[tilespmem:v14+s4+$0x0] =	vst.idx.msk @!p0 vm0, v7  }
.LBB2_20:
0x1a2: {  	[tilespmem:v8+s4+$0x0] =	vst.idx.msk @!p0 vm0, v7;
	p0 =	sge.s32 s8, s10  }
0x1a3: {  	s5 =	sadd.s32 $0x10, s5;
	s4 =	smov.u32 s17;
	s17 =	sadd.s32 $0x10, s17  }
0x1a4: {  	p1 =	sne.s32 s17, $0xFC0;
	v9 =	vld @!p0 [tilespmem:s5+$0x0];
	v7 =	vlaneseq.u32 @!p0  }
0x1a5: {  	v7 =	vor.u32 @!p0 s8, v7;
	s8 =	smov.u32 s4;
	_ =	sdelay $0x1  }
0x1a6: {  	vm0 =	vlt.s32 @!p0 v7, v6;
	_ =	sdelay $0x1  }
0x1a7: {  	v10 =	vadd.s32 @!p0 $0xFC0, v9;
	v11 =	vadd.s32 @!p0 $0x1F80, v9;
	v12 =	vadd.s32 @!p0 $0x2F40, v9  }
0x1a8: {  	v13 =	vadd.s32 @!p0 $0x3F00, v9;
	v14 =	vadd.s32 @!p0 $0x4EC0, v9;
	v15 =	vadd.s32 @!p0 $0x5E80, v9  }
0x1a9: {  	v8 =	vadd.s32 @!p0 $0x6E40, v9  }
0x1aa: {  	s4 =	simm.s32 @!p0 $0xF280;
	v7 =	vimm.f32 @!p0 $0.0e+00  }
0x1ab: {  	[tilespmem:v9+s4+$0x0] =	vst.idx.msk @!p0 vm0, v7  }
0x1ac: {  	[tilespmem:v10+s4+$0x0] =	vst.idx.msk @!p0 vm0, v7  }
.Ltmp15:
0x1ad: {  	[tilespmem:v11+s4+$0x0] =	vst.idx.msk @!p0 vm0, v7;
	(pc) =	sbr.rel @p1 .LBB2_20-.Ltmp15, $4  }
0x1ae: {  	[tilespmem:v12+s4+$0x0] =	vst.idx.msk @!p0 vm0, v7  }
0x1af: {  	[tilespmem:v13+s4+$0x0] =	vst.idx.msk @!p0 vm0, v7  }
0x1b0: {  	[tilespmem:v14+s4+$0x0] =	vst.idx.msk @!p0 vm0, v7  }
0x1b1: {  	[tilespmem:v15+s4+$0x0] =	vst.idx.msk @!p0 vm0, v7  }
0x1b2: {  	_ =	sdelay $0x4  }
0x1b3: {  	p1 =	sge.s32 s8, s10;
	[tilespmem:v8+s4+$0x0] =	vst.idx.msk @!p0 vm0, v7;
	s4 =	sadd.s32 $0x10, s5  }
0x1b4: {  	v7 =	vld @!p1 [tilespmem:s4+$0x0]  }
0x1b5: {  	v8 =	vlaneseq.u32 @!p1  }
0x1b6: {  	v8 =	vor.u32 @!p1 s8, v8  }
0x1b7: {  	vm0 =	vlt.s32 @!p1 v8, v6;
	_ =	sdelay $0x1  }
0x1b8: {  	v8 =	vadd.s32 @!p1 $0xFC0, v7  }
0x1b9: {  	v9 =	vadd.s32 @!p1 $0x1F80, v7  }
0x1ba: {  	v10 =	vadd.s32 @!p1 $0x2F40, v7  }
0x1bb: {  	v12 =	vimm.f32 @!p1 $0.0e+00;
	s4 =	simm.s32 @!p1 $0xF280;
	v11 =	vadd.s32 @!p1 $0x3F00, v7  }
0x1bc: {  	v13 =	vadd.s32 @!p1 $0x4EC0, v7;
	[tilespmem:v7+s4+$0x0] =	vst.idx.msk @!p1 vm0, v12  }
0x1bd: {  	v14 =	vadd.s32 @!p1 $0x5E80, v7;
	[tilespmem:v8+s4+$0x0] =	vst.idx.msk @!p1 vm0, v12  }
0x1be: {  	v7 =	vadd.s32 @!p1 $0x6E40, v7;
	[tilespmem:v9+s4+$0x0] =	vst.idx.msk @!p1 vm0, v12  }
0x1bf: {  	[tilespmem:v10+s4+$0x0] =	vst.idx.msk @!p1 vm0, v12  }
0x1c0: {  	[tilespmem:v11+s4+$0x0] =	vst.idx.msk @!p1 vm0, v12  }
0x1c1: {  	[tilespmem:v13+s4+$0x0] =	vst.idx.msk @!p1 vm0, v12  }
0x1c2: {  	[tilespmem:v14+s4+$0x0] =	vst.idx.msk @!p1 vm0, v12  }
0x1c3: {  	[tilespmem:v7+s4+$0x0] =	vst.idx.msk @!p1 vm0, v12  }
0x1c4: {  	_ =	swait.ge [sflag:s19], $0xFC0  }
0x1c5: {  	[sflag:s19] =	ssyncset.done $0x0  }
0x1c6: {  	[sflag:s19] =	ssyncadd.s32 $0xFFFFF040  }
0x1c7: {  	_ =	swait.ge [sflag:s19], $0xFC0  }
0x1c8: {  	[sflag:s19] =	ssyncset.done $0x0  }
0x1c9: {  	[sflag:s19] =	ssyncadd.s32 $0xFFFFF040  }
0x1ca: {  	_ =	swait.ge [sflag:s19], $0xFC0  }
0x1cb: {  	[sflag:s19] =	ssyncset.done $0x0  }
0x1cc: {  	[sflag:s19] =	ssyncadd.s32 $0xFFFFF040  }
0x1cd: {  	_ =	swait.ge [sflag:s19], $0xFC0  }
0x1ce: {  	[sflag:s19] =	ssyncset.done $0x0  }
0x1cf: {  	[sflag:s19] =	ssyncadd.s32 $0xFFFFF040  }
0x1d0: {  	_ =	swait.ge [sflag:s19], $0xFC0  }
0x1d1: {  	[sflag:s19] =	ssyncset.done $0x0  }
0x1d2: {  	[sflag:s19] =	ssyncadd.s32 $0xFFFFF040  }
0x1d3: {  	_ =	swait.ge [sflag:s19], $0xFC0  }
0x1d4: {  	[sflag:s19] =	ssyncset.done $0x0  }
0x1d5: {  	[sflag:s19] =	ssyncadd.s32 $0xFFFFF040  }
0x1d6: {  	_ =	swait.ge [sflag:s19], $0xFC0  }
0x1d7: {  	[sflag:s19] =	ssyncset.done $0x0  }
0x1d8: {  	[sflag:s19] =	ssyncadd.s32 $0xFFFFF040  }
0x1d9: {  	_ =	swait.ge [sflag:s19], $0xFC0  }
0x1da: {  	[sflag:s19] =	ssyncset.done $0x0  }
0x1db: {  	s5 =	simm.s32 $0xA280;
	p0 =	sle.s32 s10, $0x0;
	[sflag:s19] =	ssyncadd.s32 $0xFFFFF040  }
0x1dc: {  	v8 =	vld @!p0 [tilespmem:s5+$0x0]  }
0x1dd: {  	s4 =	simm.s32 $0x0;
	v7 =	vlaneseq.u32 @!p0  }
0x1de: {  	v7 =	vor.u32 @!p0 s4, v7  }
0x1df: {  	vm0 =	vlt.s32 @!p0 v7, v6;
	_ =	sdelay $0x1  }
0x1e0: {  	v9 =	vadd.s32 @!p0 $0xFC0, v8  }
0x1e1: {  	v10 =	vadd.s32 @!p0 $0x1F80, v8  }
0x1e2: {  	v11 =	vadd.s32 @!p0 $0x2F40, v8  }
0x1e3: {  	s4 =	simm.s32 @!p0 $0x17080;
	v7 =	vimm.f32 @!p0 $0.0e+00;
	v12 =	vadd.s32 @!p0 $0x3F00, v8  }
0x1e4: {  	v13 =	vadd.s32 @!p0 $0x4EC0, v8;
	[tilespmem:v8+s4+$0x0] =	vst.idx.msk @!p0 vm0, v7  }
0x1e5: {  	v14 =	vadd.s32 @!p0 $0x5E80, v8;
	[tilespmem:v9+s4+$0x0] =	vst.idx.msk @!p0 vm0, v7  }
0x1e6: {  	v8 =	vadd.s32 @!p0 $0x6E40, v8;
	[tilespmem:v10+s4+$0x0] =	vst.idx.msk @!p0 vm0, v7  }
0x1e7: {  	[tilespmem:v11+s4+$0x0] =	vst.idx.msk @!p0 vm0, v7  }
0x1e8: {  	[tilespmem:v12+s4+$0x0] =	vst.idx.msk @!p0 vm0, v7  }
0x1e9: {  	[tilespmem:v13+s4+$0x0] =	vst.idx.msk @!p0 vm0, v7  }
0x1ea: {  	s17 =	simm.s32 $0x20;
	s8 =	simm.s32 $0x10;
	[tilespmem:v14+s4+$0x0] =	vst.idx.msk @!p0 vm0, v7  }
.LBB2_22:
0x1eb: {  	[tilespmem:v8+s4+$0x0] =	vst.idx.msk @!p0 vm0, v7;
	p0 =	sge.s32 s8, s10  }
0x1ec: {  	s5 =	sadd.s32 $0x10, s5;
	s4 =	smov.u32 s17;
	s17 =	sadd.s32 $0x10, s17  }
0x1ed: {  	p1 =	sne.s32 s17, $0xFC0;
	v9 =	vld @!p0 [tilespmem:s5+$0x0];
	v7 =	vlaneseq.u32 @!p0  }
0x1ee: {  	v7 =	vor.u32 @!p0 s8, v7;
	s8 =	smov.u32 s4;
	_ =	sdelay $0x1  }
0x1ef: {  	vm0 =	vlt.s32 @!p0 v7, v6;
	_ =	sdelay $0x1  }
0x1f0: {  	v10 =	vadd.s32 @!p0 $0xFC0, v9;
	v11 =	vadd.s32 @!p0 $0x1F80, v9;
	v12 =	vadd.s32 @!p0 $0x2F40, v9  }
0x1f1: {  	v13 =	vadd.s32 @!p0 $0x3F00, v9;
	v14 =	vadd.s32 @!p0 $0x4EC0, v9;
	v15 =	vadd.s32 @!p0 $0x5E80, v9  }
0x1f2: {  	v8 =	vadd.s32 @!p0 $0x6E40, v9  }
0x1f3: {  	s4 =	simm.s32 @!p0 $0x17080;
	v7 =	vimm.f32 @!p0 $0.0e+00  }
0x1f4: {  	[tilespmem:v9+s4+$0x0] =	vst.idx.msk @!p0 vm0, v7  }
0x1f5: {  	[tilespmem:v10+s4+$0x0] =	vst.idx.msk @!p0 vm0, v7  }
.Ltmp16:
0x1f6: {  	[tilespmem:v11+s4+$0x0] =	vst.idx.msk @!p0 vm0, v7;
	(pc) =	sbr.rel @p1 .LBB2_22-.Ltmp16, $4  }
0x1f7: {  	[tilespmem:v12+s4+$0x0] =	vst.idx.msk @!p0 vm0, v7  }
0x1f8: {  	[tilespmem:v13+s4+$0x0] =	vst.idx.msk @!p0 vm0, v7  }
0x1f9: {  	[tilespmem:v14+s4+$0x0] =	vst.idx.msk @!p0 vm0, v7  }
0x1fa: {  	[tilespmem:v15+s4+$0x0] =	vst.idx.msk @!p0 vm0, v7  }
0x1fb: {  	_ =	sdelay $0x4  }
0x1fc: {  	p1 =	sge.s32 s8, s10;
	[tilespmem:v8+s4+$0x0] =	vst.idx.msk @!p0 vm0, v7;
	s4 =	sadd.s32 $0x10, s5  }
0x1fd: {  	v7 =	vld @!p1 [tilespmem:s4+$0x0]  }
0x1fe: {  	v8 =	vlaneseq.u32 @!p1  }
0x1ff: {  	v8 =	vor.u32 @!p1 s8, v8  }
0x200: {  	vm0 =	vlt.s32 @!p1 v8, v6;
	_ =	sdelay $0x1  }
0x201: {  	v8 =	vadd.s32 @!p1 $0xFC0, v7  }
0x202: {  	v9 =	vadd.s32 @!p1 $0x1F80, v7  }
0x203: {  	v10 =	vadd.s32 @!p1 $0x2F40, v7  }
0x204: {  	v12 =	vimm.f32 @!p1 $0.0e+00;
	s4 =	simm.s32 @!p1 $0x17080;
	v11 =	vadd.s32 @!p1 $0x3F00, v7  }
0x205: {  	v13 =	vadd.s32 @!p1 $0x4EC0, v7;
	[tilespmem:v7+s4+$0x0] =	vst.idx.msk @!p1 vm0, v12  }
0x206: {  	v14 =	vadd.s32 @!p1 $0x5E80, v7;
	[tilespmem:v8+s4+$0x0] =	vst.idx.msk @!p1 vm0, v12  }
0x207: {  	v7 =	vadd.s32 @!p1 $0x6E40, v7;
	[tilespmem:v9+s4+$0x0] =	vst.idx.msk @!p1 vm0, v12  }
0x208: {  	[tilespmem:v10+s4+$0x0] =	vst.idx.msk @!p1 vm0, v12  }
0x209: {  	[tilespmem:v11+s4+$0x0] =	vst.idx.msk @!p1 vm0, v12  }
0x20a: {  	[tilespmem:v13+s4+$0x0] =	vst.idx.msk @!p1 vm0, v12  }
0x20b: {  	[tilespmem:v14+s4+$0x0] =	vst.idx.msk @!p1 vm0, v12  }
0x20c: {  	[tilespmem:v7+s4+$0x0] =	vst.idx.msk @!p1 vm0, v12  }
.LBB2_24:
.Ltmp17:
0x20d: {  	(pc) =	sbr.rel .LBB2_25-.Ltmp17, $2  }
0x20e: {  	_ =	sdelay $0x2  }
0x20f: {  	s17 =	sshll.u32 s16, $0x4;
	s8 =	simm.s32 $0x0  }
.LBB2_32:
0x210: {  	s8 =	sadd.s32 $0x1, s8  }
0x211: {  	p0 =	seq.s32 s8, $0x20  }
.Ltmp18:
0x212: {  	_ = 	snop;
	(pc) =	sbr.rel @p0 .LBB2_33-.Ltmp18, $1  }
0x213: {  	_ =	sdelay $0x3  }
.LBB2_25:
0x214: {  	s22 =	sshll.u32 s8, $0x7  }
0x215: {  	p0 =	sge.s32 s22, s10  }
.Ltmp19:
0x216: {  	_ = 	snop;
	(pc) =	sbr.rel @p0 .LBB2_32-.Ltmp19, $1  }
0x217: {  	_ =	sdelay $0x3  }
0x218: {  	s4 =	sand.u32 $0x3FFFFF80, s22  }
.Ltmp20:
0x219: {  	s4 =	sadd.s32 $0x9280, s4;
	(pc) =	sbr.rel .LBB2_27-.Ltmp20, $4  }
0x21a: {  	[tilespmem:s2], [sflag:$0x3] =	stream.indirect.gather [hbm4b:s0+s23], $0x80, s4, s23, $0xb8;
	[tilespmem:$0x1EE80] =	vst v63  }
0x21b: {  	_ =	swait.ge [sflag:s18], $0x4000  }
0x21c: {  	s9 =	sadd.s32 $0xA280, s22;
	[sflag:s18] =	ssyncset.done $0x0  }
0x21d: {  	s5 =	simm.s32 $0x0;
	v7 =	vmov s9;
	[sflag:s18] =	ssyncadd.s32 $0xFFFFC000  }
.LBB2_31:
0x21e: {  	s5 =	sadd.s32 $0x1, s5  }
0x21f: {  	p0 =	sne.s32 s5, $0x8  }
.Ltmp21:
0x220: {  	_ = 	snop;
	(pc) =	sbr.rel @!p0 .LBB2_32-.Ltmp21, $1  }
0x221: {  	_ =	sdelay $0x3  }
.LBB2_27:
0x222: {  	s9 =	sshll.u32 s5, $0x4  }
0x223: {  	s4 =	sor.u32 s22, s9  }
0x224: {  	p0 =	sge.s32 s4, s10  }
.Ltmp22:
0x225: {  	_ = 	snop;
	(pc) =	sbr.rel @p0 .LBB2_31-.Ltmp22, $1  }
0x226: {  	_ =	sdelay $0x3  }
0x227: {  	s6 =	sadd.s32 $0x0, s14  }
0x228: {  	v8 =	vmov s6  }
0x229: {  	v9 =	vmov s9;
	v8 =	vand.u32 $0x7F, v8  }
0x22a: {  	v9 =	vshll.u32 v9, $0x7;
	v10 =	vbroadcast v8, $0x0  }
0x22b: {  	s6 =	simm.s32 $0x0;
	v9 =	vor.u32 v5, v9  }
0x22c: {  	v11 =	vmov s6;
	v8 =	vld.idx.msk [tilespmem:v7+s9+$0x0 ss:$0x1], $0xffff;
	v10 =	vor.u32 v9, v10  }
0x22d: {  	s9 =	sadd.s32 $0x1, s14;
	v11 =	vmul.u32 $0xFC0, v11  }
0x22e: {  	v12 =	vmov s9  }
0x22f: {  	v13 =	vor.u32 s4, v2;
	v12 =	vand.u32 $0x7F, v12;
	v11 =	vbroadcast v11, $0x0  }
0x230: {  	vm0 =	vlt.s32 v13, v6;
	v14 =	vbroadcast v12, $0x0  }
0x231: {  	v12 =	vadd.s32 v8, v11;
	v10 =	vld.idx.msk [tilespmem:v10+s2+$0x0], $0xffff  }
0x232: {  	s9 =	simm.s32 $0x1;
	v11 =	vor.u32 v9, v14  }
0x233: {  	v13 =	vmov s9  }
0x234: {  	s4 =	simm.s32 $0x2;
	s6 =	sadd.s32 $0x2, s14;
	s9 =	simm.s32 $0x3;
	v13 =	vmul.u32 $0xFC0, v13  }
.LBB2_29:
0x235: {  	p0 =	sne.s32 s9, $0x7;
	v14 =	vmov s6  }
0x236: {  	v14 =	vand.u32 $0x7F, v14;
	v13 =	vbroadcast v13, $0x0;
	[tilespmem:v12+s20+$0x0] =	vst.idx.msk vm0, v10  }
.Ltmp23:
0x237: {  	v14 =	vbroadcast v14, $0x0;
	v10 =	vld.idx.msk [tilespmem:v11+s2+$0x0], $0xffff;
	(pc) =	sbr.rel @p0 .LBB2_29-.Ltmp23, $4  }
0x238: {  	v12 =	vadd.s32 v8, v13  }
0x239: {  	v11 =	vor.u32 v9, v14  }
0x23a: {  	v13 =	vmov s4;
	s4 =	smov.u32 s9  }
0x23b: {  	s9 =	sadd.s32 $0x1, s9;
	s6 =	sadd.s32 s4, s14;
	v13 =	vmul.u32 $0xFC0, v13  }
0x23c: {  	_ =	sdelay $0x2  }
0x23d: {  	v14 =	vmov s6  }
0x23e: {  	v14 =	vand.u32 $0x7F, v14;
	v13 =	vbroadcast v13, $0x0  }
0x23f: {  	[tilespmem:v12+s20+$0x0] =	vst.idx.msk vm0, v10;
	v61 =	vbroadcast v14, $0x0  }
0x240: {  	v11 =	vld.idx.msk [tilespmem:v11+s2+$0x0], $0xffff;
	v62 =	vadd.s32 v8, v13  }
0x241: {  	v63 =	vmov s4;
	v9 =	vor.u32 v9, v61  }
0x242: {  	v10 =	vmul.u32 $0xFC0, v63;
	_ =	sdelay $0x1  }
0x243: {  	v10 =	vbroadcast v10, $0x0  }
0x244: {  	[tilespmem:v62+s20+$0x0] =	vst.idx.msk vm0, v11  }
0x245: {  	v8 =	vadd.s32 v8, v10;
	v9 =	vld.idx.msk [tilespmem:v9+s2+$0x0], $0xffff  }
.Ltmp24:
0x246: {  	_ = 	snop;
	(pc) =	sbr.rel .LBB2_31-.Ltmp24, $2  }
0x247: {  	_ =	sdelay $0x2  }
0x248: {  	[tilespmem:v8+s20+$0x0] =	vst.idx.msk vm0, v9  }
.LBB2_33:
0x249: {  	s4 =	sadd.s32 s29, s17  }
0x24a: {  	s4 =	smul.u32 $0x1F8, s4;
	_ =	sdelay $0x1  }
0x24b: {  	s5 =	sadd.s32 s3, s4  }
0x24c: {  	s6 =	sadd.s32 s21, s4;
	s5 =	smul.u32 $0x1F8, s5  }
0x24d: {  	s6 =	smul.u32 $0x1F8, s6  }
0x24e: {  	s8 =	simm.s32 $0x0;
	s5 =	sshrl.u32 s5, $0x3  }
0x24f: {  	s22 =	sadd.s32 s24, s4;
	s9 =	sshrl.u32 s6, $0x3;
	s5 =	sadd.s32 s7, s5  }
0x250: {  	[hbm4b:s5+s8] =	stream.linear.scatter [tilespmem:s20], [sflag:$0x4], $0xFC0, $0x38;
	[tilespmem:$0x1EE80] =	vst v63  }
0x251: {  	s6 =	smul.u32 $0x1F8, s22;
	s5 =	sadd.s32 s7, s9;
	s9 =	simm.s32 $0x10240  }
0x252: {  	[hbm4b:s5+s8] =	stream.linear.scatter [tilespmem:s9], [sflag:$0x4], $0xFC0, $0x38;
	[tilespmem:$0x1EE80] =	vst v63  }
0x253: {  	s6 =	sshrl.u32 s6, $0x3;
	s9 =	sadd.s32 s25, s4  }
0x254: {  	s22 =	simm.s32 $0x11200;
	s5 =	sadd.s32 s7, s6;
	s6 =	smul.u32 $0x1F8, s9  }
0x255: {  	[hbm4b:s5+s8] =	stream.linear.scatter [tilespmem:s22], [sflag:$0x4], $0xFC0, $0x38;
	[tilespmem:$0x1EE80] =	vst v63  }
0x256: {  	s9 =	sadd.s32 s26, s4;
	s6 =	sshrl.u32 s6, $0x3  }
0x257: {  	s22 =	simm.s32 $0x121C0;
	s5 =	sadd.s32 s7, s6;
	s6 =	smul.u32 $0x1F8, s9  }
0x258: {  	[hbm4b:s5+s8] =	stream.linear.scatter [tilespmem:s22], [sflag:$0x4], $0xFC0, $0x38;
	[tilespmem:$0x1EE80] =	vst v63  }
0x259: {  	s6 =	sshrl.u32 s6, $0x3  }
0x25a: {  	s9 =	sadd.s32 s28, s4;
	s22 =	simm.s32 $0x13180;
	s5 =	sadd.s32 s7, s6  }
0x25b: {  	s6 =	smul.u32 $0x1F8, s9;
	s9 =	sadd.s32 s11, s4;
	s4 =	sadd.s32 s12, s4  }
0x25c: {  	[hbm4b:s5+s8] =	stream.linear.scatter [tilespmem:s22], [sflag:$0x4], $0xFC0, $0x38;
	[tilespmem:$0x1EE80] =	vst v63  }
0x25d: {  	s4 =	smul.u32 $0x1F8, s4;
	s6 =	sshrl.u32 s6, $0x3  }
0x25e: {  	s22 =	simm.s32 $0x14140;
	s5 =	sadd.s32 s7, s6;
	s6 =	smul.u32 $0x1F8, s9  }
0x25f: {  	[hbm4b:s5+s8] =	stream.linear.scatter [tilespmem:s22], [sflag:$0x4], $0xFC0, $0x38;
	[tilespmem:$0x1EE80] =	vst v63  }
.Ltmp25:
0x260: {  	s6 =	sshrl.u32 s6, $0x3;
	(pc) =	sbr.rel .LBB2_34-.Ltmp25, $4  }
0x261: {  	s9 =	simm.s32 $0x15100;
	s4 =	sshrl.u32 s4, $0x3;
	s5 =	sadd.s32 s7, s6  }
0x262: {  	[hbm4b:s5+s8] =	stream.linear.scatter [tilespmem:s9], [sflag:$0x4], $0xFC0, $0x38;
	[tilespmem:$0x1EE80] =	vst v63  }
0x263: {  	s17 =	sor.u32 $0x8, s17;
	s4 =	sadd.s32 s7, s4;
	s22 =	simm.s32 $0x160C0  }
0x264: {  	[hbm4b:s4+s8] =	stream.linear.scatter [tilespmem:s22], [sflag:$0x4], $0xFC0, $0x38;
	[tilespmem:$0x1EE80] =	vst v63  }
.LBB2_41:
0x265: {  	s8 =	sadd.s32 $0x1, s8  }
0x266: {  	p0 =	seq.s32 s8, $0x20  }
.Ltmp26:
0x267: {  	_ = 	snop;
	(pc) =	sbr.rel @p0 .LBB2_42-.Ltmp26, $1  }
0x268: {  	_ =	sdelay $0x3  }
.LBB2_34:
0x269: {  	s22 =	sshll.u32 s8, $0x7  }
0x26a: {  	p0 =	sge.s32 s22, s10  }
.Ltmp27:
0x26b: {  	_ = 	snop;
	(pc) =	sbr.rel @p0 .LBB2_41-.Ltmp27, $1  }
0x26c: {  	_ =	sdelay $0x3  }
0x26d: {  	s4 =	sand.u32 $0x3FFFFF80, s22  }
.Ltmp28:
0x26e: {  	s4 =	sadd.s32 $0x9280, s4;
	(pc) =	sbr.rel .LBB2_36-.Ltmp28, $4  }
0x26f: {  	[tilespmem:s2], [sflag:$0x3] =	stream.indirect.gather [hbm4b:s0+s23], $0x80, s4, s23, $0xb8;
	[tilespmem:$0x1EE80] =	vst v63  }
0x270: {  	_ =	swait.ge [sflag:s18], $0x4000  }
0x271: {  	s9 =	sadd.s32 $0xA280, s22;
	[sflag:s18] =	ssyncset.done $0x0  }
0x272: {  	s5 =	simm.s32 $0x0;
	v7 =	vmov s9;
	[sflag:s18] =	ssyncadd.s32 $0xFFFFC000  }
.LBB2_40:
0x273: {  	s5 =	sadd.s32 $0x1, s5  }
0x274: {  	p0 =	sne.s32 s5, $0x8  }
.Ltmp29:
0x275: {  	_ = 	snop;
	(pc) =	sbr.rel @!p0 .LBB2_41-.Ltmp29, $1  }
0x276: {  	_ =	sdelay $0x3  }
.LBB2_36:
0x277: {  	s9 =	sshll.u32 s5, $0x4  }
0x278: {  	s4 =	sor.u32 s22, s9  }
0x279: {  	p0 =	sge.s32 s4, s10  }
.Ltmp30:
0x27a: {  	_ = 	snop;
	(pc) =	sbr.rel @p0 .LBB2_40-.Ltmp30, $1  }
0x27b: {  	_ =	sdelay $0x3  }
0x27c: {  	v8 =	vmov s9;
	s6 =	sadd.s32 $0x0, s15  }
0x27d: {  	v8 =	vshll.u32 v8, $0x7;
	v10 =	vmov s6  }
0x27e: {  	v9 =	vor.u32 v5, v8;
	v8 =	vand.u32 $0x7FFFFF80, v10  }
0x27f: {  	s6 =	simm.s32 $0x0;
	v10 =	vand.u32 $0x7F, v10;
	v11 =	vadd.s32 v9, v8  }
0x280: {  	v8 =	vld.idx.msk [tilespmem:v7+s9+$0x0 ss:$0x1], $0xffff;
	v11 =	vor.u32 v10, v11;
	v10 =	vmov s6  }
0x281: {  	v10 =	vmul.u32 $0xFC0, v10  }
0x282: {  	v12 =	vor.u32 s4, v2;
	s9 =	sadd.s32 $0x1, s15  }
0x283: {  	vm0 =	vlt.s32 v12, v6;
	v13 =	vmov s9;
	v12 =	vbroadcast v10, $0x0  }
0x284: {  	v10 =	vand.u32 $0x7FFFFF80, v13  }
0x285: {  	v13 =	vand.u32 $0x7F, v13;
	v10 =	vadd.s32 v9, v10;
	v11 =	vld.idx.msk [tilespmem:v11+s2+$0x0], $0xffff;
	v12 =	vadd.s32 v8, v12  }
0x286: {  	s9 =	simm.s32 $0x1;
	v10 =	vor.u32 v13, v10  }
0x287: {  	v14 =	vmov s9  }
0x288: {  	v13 =	vmul.u32 $0xFC0, v14  }
0x289: {  	s4 =	simm.s32 $0x2;
	s6 =	sadd.s32 $0x2, s15;
	s9 =	simm.s32 $0x3  }
.LBB2_38:
0x28a: {  	p0 =	sne.s32 s9, $0x7;
	v14 =	vmov s6;
	v13 =	vbroadcast v13, $0x0;
	[tilespmem:v12+s13+$0x0] =	vst.idx.msk vm0, v11  }
0x28b: {  	v12 =	vand.u32 $0x7FFFFF80, v14;
	v11 =	vld.idx.msk [tilespmem:v10+s2+$0x0], $0xffff  }
.Ltmp31:
0x28c: {  	v10 =	vand.u32 $0x7F, v14;
	v14 =	vadd.s32 v9, v12;
	v12 =	vadd.s32 v8, v13;
	(pc) =	sbr.rel @p0 .LBB2_38-.Ltmp31, $4  }
0x28d: {  	v10 =	vor.u32 v10, v14  }
0x28e: {  	v13 =	vmov s4;
	s4 =	smov.u32 s9  }
0x28f: {  	v13 =	vmul.u32 $0xFC0, v13  }
0x290: {  	s9 =	sadd.s32 $0x1, s9;
	s6 =	sadd.s32 s4, s15  }
0x291: {  	_ =	sdelay $0x3  }
0x292: {  	v14 =	vmov s6;
	v13 =	vbroadcast v13, $0x0  }
0x293: {  	[tilespmem:v12+s13+$0x0] =	vst.idx.msk vm0, v11;
	v60 =	vand.u32 $0x7FFFFF80, v14  }
0x294: {  	v10 =	vld.idx.msk [tilespmem:v10+s2+$0x0], $0xffff;
	v61 =	vand.u32 $0x7F, v14;
	v9 =	vadd.s32 v9, v60;
	v62 =	vadd.s32 v8, v13  }
0x295: {  	v63 =	vmov s4;
	v9 =	vor.u32 v61, v9  }
0x296: {  	v12 =	vmul.u32 $0xFC0, v63;
	_ =	sdelay $0x1  }
0x297: {  	v12 =	vbroadcast v12, $0x0  }
0x298: {  	[tilespmem:v62+s13+$0x0] =	vst.idx.msk vm0, v10  }
0x299: {  	v8 =	vadd.s32 v8, v12;
	v9 =	vld.idx.msk [tilespmem:v9+s2+$0x0], $0xffff  }
.Ltmp32:
0x29a: {  	_ = 	snop;
	(pc) =	sbr.rel .LBB2_40-.Ltmp32, $2  }
0x29b: {  	_ =	sdelay $0x2  }
0x29c: {  	[tilespmem:v8+s13+$0x0] =	vst.idx.msk vm0, v9  }
.LBB2_43:
0x29d: {  	_ =	swait.ge [sflag:s30], $0xFC0  }
0x29e: {  	[sflag:s30] =	ssyncset.done $0x0  }
0x29f: {  	[sflag:s30] =	ssyncadd.s32 $0xFFFFF040  }
0x2a0: {  	_ =	swait.ge [sflag:s30], $0xFC0  }
0x2a1: {  	[sflag:s30] =	ssyncset.done $0x0  }
0x2a2: {  	[sflag:s30] =	ssyncadd.s32 $0xFFFFF040  }
0x2a3: {  	_ =	swait.ge [sflag:s30], $0xFC0  }
0x2a4: {  	[sflag:s30] =	ssyncset.done $0x0  }
0x2a5: {  	[sflag:s30] =	ssyncadd.s32 $0xFFFFF040  }
0x2a6: {  	_ =	swait.ge [sflag:s30], $0xFC0  }
0x2a7: {  	[sflag:s30] =	ssyncset.done $0x0  }
0x2a8: {  	[sflag:s30] =	ssyncadd.s32 $0xFFFFF040  }
0x2a9: {  	_ =	swait.ge [sflag:s30], $0xFC0  }
0x2aa: {  	[sflag:s30] =	ssyncset.done $0x0  }
0x2ab: {  	[sflag:s30] =	ssyncadd.s32 $0xFFFFF040  }
0x2ac: {  	_ =	swait.ge [sflag:s30], $0xFC0  }
0x2ad: {  	[sflag:s30] =	ssyncset.done $0x0  }
0x2ae: {  	[sflag:s30] =	ssyncadd.s32 $0xFFFFF040  }
0x2af: {  	_ =	swait.ge [sflag:s30], $0xFC0  }
0x2b0: {  	[sflag:s30] =	ssyncset.done $0x0  }
0x2b1: {  	[sflag:s30] =	ssyncadd.s32 $0xFFFFF040  }
0x2b2: {  	_ =	swait.ge [sflag:s30], $0xFC0  }
0x2b3: {  	[sflag:s30] =	ssyncset.done $0x0  }
0x2b4: {  	s3 =	simm.s32 $0xA280;
	p0 =	sle.s32 s10, $0x0;
	[sflag:s30] =	ssyncadd.s32 $0xFFFFF040  }
0x2b5: {  	v8 =	vld @!p0 [tilespmem:s3+$0x0]  }
0x2b6: {  	s4 =	simm.s32 $0x0;
	v7 =	vlaneseq.u32 @!p0  }
0x2b7: {  	v7 =	vor.u32 @!p0 s4, v7  }
0x2b8: {  	vm0 =	vlt.s32 @!p0 v7, v6;
	_ =	sdelay $0x1  }
0x2b9: {  	v9 =	vadd.s32 @!p0 $0xFC0, v8  }
0x2ba: {  	v10 =	vadd.s32 @!p0 $0x1F80, v8  }
0x2bb: {  	v11 =	vadd.s32 @!p0 $0x2F40, v8  }
0x2bc: {  	s4 =	simm.s32 @!p0 $0xF280;
	v7 =	vimm.f32 @!p0 $0.0e+00;
	v12 =	vadd.s32 @!p0 $0x3F00, v8  }
0x2bd: {  	v13 =	vadd.s32 @!p0 $0x4EC0, v8;
	[tilespmem:v8+s4+$0x0] =	vst.idx.msk @!p0 vm0, v7  }
0x2be: {  	v14 =	vadd.s32 @!p0 $0x5E80, v8;
	[tilespmem:v9+s4+$0x0] =	vst.idx.msk @!p0 vm0, v7  }
0x2bf: {  	v8 =	vadd.s32 @!p0 $0x6E40, v8;
	[tilespmem:v10+s4+$0x0] =	vst.idx.msk @!p0 vm0, v7  }
0x2c0: {  	[tilespmem:v11+s4+$0x0] =	vst.idx.msk @!p0 vm0, v7  }
0x2c1: {  	[tilespmem:v12+s4+$0x0] =	vst.idx.msk @!p0 vm0, v7  }
0x2c2: {  	[tilespmem:v13+s4+$0x0] =	vst.idx.msk @!p0 vm0, v7  }
0x2c3: {  	s5 =	simm.s32 $0x10;
	s8 =	simm.s32 $0x20;
	[tilespmem:v14+s4+$0x0] =	vst.idx.msk @!p0 vm0, v7  }
.LBB2_44:
0x2c4: {  	[tilespmem:v8+s4+$0x0] =	vst.idx.msk @!p0 vm0, v7;
	p0 =	sge.s32 s5, s10  }
0x2c5: {  	s3 =	sadd.s32 $0x10, s3;
	s4 =	smov.u32 s8;
	s8 =	sadd.s32 $0x10, s8  }
0x2c6: {  	p1 =	sne.s32 s8, $0xFC0;
	v9 =	vld @!p0 [tilespmem:s3+$0x0];
	v7 =	vlaneseq.u32 @!p0  }
0x2c7: {  	v7 =	vor.u32 @!p0 s5, v7;
	s5 =	smov.u32 s4;
	_ =	sdelay $0x1  }
0x2c8: {  	vm0 =	vlt.s32 @!p0 v7, v6;
	_ =	sdelay $0x1  }
0x2c9: {  	v10 =	vadd.s32 @!p0 $0xFC0, v9;
	v11 =	vadd.s32 @!p0 $0x1F80, v9;
	v12 =	vadd.s32 @!p0 $0x2F40, v9  }
0x2ca: {  	v13 =	vadd.s32 @!p0 $0x3F00, v9;
	v14 =	vadd.s32 @!p0 $0x4EC0, v9;
	v15 =	vadd.s32 @!p0 $0x5E80, v9  }
0x2cb: {  	v8 =	vadd.s32 @!p0 $0x6E40, v9  }
0x2cc: {  	s4 =	simm.s32 @!p0 $0xF280;
	v7 =	vimm.f32 @!p0 $0.0e+00  }
0x2cd: {  	[tilespmem:v9+s4+$0x0] =	vst.idx.msk @!p0 vm0, v7  }
0x2ce: {  	[tilespmem:v10+s4+$0x0] =	vst.idx.msk @!p0 vm0, v7  }
.Ltmp33:
0x2cf: {  	[tilespmem:v11+s4+$0x0] =	vst.idx.msk @!p0 vm0, v7;
	(pc) =	sbr.rel @p1 .LBB2_44-.Ltmp33, $4  }
0x2d0: {  	[tilespmem:v12+s4+$0x0] =	vst.idx.msk @!p0 vm0, v7  }
0x2d1: {  	[tilespmem:v13+s4+$0x0] =	vst.idx.msk @!p0 vm0, v7  }
0x2d2: {  	[tilespmem:v14+s4+$0x0] =	vst.idx.msk @!p0 vm0, v7  }
0x2d3: {  	[tilespmem:v15+s4+$0x0] =	vst.idx.msk @!p0 vm0, v7  }
0x2d4: {  	_ =	sdelay $0x4  }
0x2d5: {  	p1 =	sge.s32 s5, s10;
	[tilespmem:v8+s4+$0x0] =	vst.idx.msk @!p0 vm0, v7;
	s3 =	sadd.s32 $0x10, s3  }
0x2d6: {  	v7 =	vld @!p1 [tilespmem:s3+$0x0]  }
0x2d7: {  	v8 =	vlaneseq.u32 @!p1  }
0x2d8: {  	v8 =	vor.u32 @!p1 s5, v8  }
0x2d9: {  	vm0 =	vlt.s32 @!p1 v8, v6;
	_ =	sdelay $0x1  }
0x2da: {  	v8 =	vadd.s32 @!p1 $0xFC0, v7  }
0x2db: {  	v9 =	vadd.s32 @!p1 $0x1F80, v7  }
0x2dc: {  	v10 =	vadd.s32 @!p1 $0x2F40, v7  }
0x2dd: {  	v12 =	vimm.f32 @!p1 $0.0e+00;
	s3 =	simm.s32 @!p1 $0xF280;
	v11 =	vadd.s32 @!p1 $0x3F00, v7  }
0x2de: {  	v13 =	vadd.s32 @!p1 $0x4EC0, v7;
	[tilespmem:v7+s3+$0x0] =	vst.idx.msk @!p1 vm0, v12  }
0x2df: {  	v14 =	vadd.s32 @!p1 $0x5E80, v7;
	[tilespmem:v8+s3+$0x0] =	vst.idx.msk @!p1 vm0, v12  }
0x2e0: {  	v7 =	vadd.s32 @!p1 $0x6E40, v7;
	[tilespmem:v9+s3+$0x0] =	vst.idx.msk @!p1 vm0, v12  }
0x2e1: {  	[tilespmem:v10+s3+$0x0] =	vst.idx.msk @!p1 vm0, v12  }
0x2e2: {  	[tilespmem:v11+s3+$0x0] =	vst.idx.msk @!p1 vm0, v12  }
0x2e3: {  	[tilespmem:v13+s3+$0x0] =	vst.idx.msk @!p1 vm0, v12  }
0x2e4: {  	[tilespmem:v14+s3+$0x0] =	vst.idx.msk @!p1 vm0, v12  }
0x2e5: {  	[tilespmem:v7+s3+$0x0] =	vst.idx.msk @!p1 vm0, v12  }
0x2e6: {  	_ =	swait.ge [sflag:s19], $0xFC0  }
0x2e7: {  	[sflag:s19] =	ssyncset.done $0x0  }
0x2e8: {  	[sflag:s19] =	ssyncadd.s32 $0xFFFFF040  }
0x2e9: {  	_ =	swait.ge [sflag:s19], $0xFC0  }
0x2ea: {  	[sflag:s19] =	ssyncset.done $0x0  }
0x2eb: {  	[sflag:s19] =	ssyncadd.s32 $0xFFFFF040  }
0x2ec: {  	_ =	swait.ge [sflag:s19], $0xFC0  }
0x2ed: {  	[sflag:s19] =	ssyncset.done $0x0  }
0x2ee: {  	[sflag:s19] =	ssyncadd.s32 $0xFFFFF040  }
0x2ef: {  	_ =	swait.ge [sflag:s19], $0xFC0  }
0x2f0: {  	[sflag:s19] =	ssyncset.done $0x0  }
0x2f1: {  	[sflag:s19] =	ssyncadd.s32 $0xFFFFF040  }
0x2f2: {  	_ =	swait.ge [sflag:s19], $0xFC0  }
0x2f3: {  	[sflag:s19] =	ssyncset.done $0x0  }
0x2f4: {  	[sflag:s19] =	ssyncadd.s32 $0xFFFFF040  }
0x2f5: {  	_ =	swait.ge [sflag:s19], $0xFC0  }
0x2f6: {  	[sflag:s19] =	ssyncset.done $0x0  }
0x2f7: {  	[sflag:s19] =	ssyncadd.s32 $0xFFFFF040  }
0x2f8: {  	_ =	swait.ge [sflag:s19], $0xFC0  }
0x2f9: {  	[sflag:s19] =	ssyncset.done $0x0  }
0x2fa: {  	[sflag:s19] =	ssyncadd.s32 $0xFFFFF040  }
0x2fb: {  	_ =	swait.ge [sflag:s19], $0xFC0  }
0x2fc: {  	[sflag:s19] =	ssyncset.done $0x0  }
0x2fd: {  	p0 =	sle.s32 s10, $0x0;
	s3 =	simm.s32 $0xA280;
	[sflag:s19] =	ssyncadd.s32 $0xFFFFF040  }
0x2fe: {  	v8 =	vld @!p0 [tilespmem:s3+$0x0]  }
0x2ff: {  	s4 =	simm.s32 $0x0;
	v7 =	vlaneseq.u32 @!p0  }
0x300: {  	v7 =	vor.u32 @!p0 s4, v7  }
0x301: {  	vm0 =	vlt.s32 @!p0 v7, v6;
	_ =	sdelay $0x1  }
0x302: {  	v9 =	vadd.s32 @!p0 $0xFC0, v8  }
0x303: {  	v10 =	vadd.s32 @!p0 $0x1F80, v8  }
0x304: {  	v11 =	vadd.s32 @!p0 $0x2F40, v8  }
0x305: {  	s4 =	simm.s32 @!p0 $0x17080;
	v7 =	vimm.f32 @!p0 $0.0e+00;
	v12 =	vadd.s32 @!p0 $0x3F00, v8  }
0x306: {  	v13 =	vadd.s32 @!p0 $0x4EC0, v8;
	[tilespmem:v8+s4+$0x0] =	vst.idx.msk @!p0 vm0, v7  }
0x307: {  	v14 =	vadd.s32 @!p0 $0x5E80, v8;
	[tilespmem:v9+s4+$0x0] =	vst.idx.msk @!p0 vm0, v7  }
0x308: {  	v8 =	vadd.s32 @!p0 $0x6E40, v8;
	[tilespmem:v10+s4+$0x0] =	vst.idx.msk @!p0 vm0, v7  }
0x309: {  	s12 =	rddreg [dreg:$0x7];
	[tilespmem:v11+s4+$0x0] =	vst.idx.msk @!p0 vm0, v7  }
0x30a: {  	s14 =	rddreg [dreg:$0xa];
	[tilespmem:v12+s4+$0x0] =	vst.idx.msk @!p0 vm0, v7  }
0x30b: {  	s8 =	simm.s32 $0x20;
	s16 =	simm.s32 $0x2;
	s15 =	rddreg [dreg:$0xb];
	[tilespmem:v13+s4+$0x0] =	vst.idx.msk @!p0 vm0, v7  }
0x30c: {  	s17 =	simm.s32 $0x8200;
	s5 =	simm.s32 $0x10;
	s11 =	rddreg [dreg:$0x4];
	[tilespmem:v14+s4+$0x0] =	vst.idx.msk @!p0 vm0, v7  }
.LBB2_46:
0x30d: {  	[tilespmem:v8+s4+$0x0] =	vst.idx.msk @!p0 vm0, v7;
	p0 =	sge.s32 s5, s10  }
0x30e: {  	s3 =	sadd.s32 $0x10, s3;
	s4 =	smov.u32 s8;
	s8 =	sadd.s32 $0x10, s8  }
0x30f: {  	p1 =	sne.s32 s8, $0xFC0;
	v9 =	vld @!p0 [tilespmem:s3+$0x0];
	v7 =	vlaneseq.u32 @!p0  }
0x310: {  	v7 =	vor.u32 @!p0 s5, v7;
	s5 =	smov.u32 s4;
	_ =	sdelay $0x1  }
0x311: {  	vm0 =	vlt.s32 @!p0 v7, v6;
	_ =	sdelay $0x1  }
0x312: {  	v10 =	vadd.s32 @!p0 $0xFC0, v9;
	v11 =	vadd.s32 @!p0 $0x1F80, v9;
	v12 =	vadd.s32 @!p0 $0x2F40, v9  }
0x313: {  	v13 =	vadd.s32 @!p0 $0x3F00, v9;
	v14 =	vadd.s32 @!p0 $0x4EC0, v9;
	v15 =	vadd.s32 @!p0 $0x5E80, v9  }
0x314: {  	v8 =	vadd.s32 @!p0 $0x6E40, v9  }
0x315: {  	s4 =	simm.s32 @!p0 $0x17080;
	v7 =	vimm.f32 @!p0 $0.0e+00  }
0x316: {  	[tilespmem:v9+s4+$0x0] =	vst.idx.msk @!p0 vm0, v7  }
0x317: {  	[tilespmem:v10+s4+$0x0] =	vst.idx.msk @!p0 vm0, v7  }
.Ltmp34:
0x318: {  	[tilespmem:v11+s4+$0x0] =	vst.idx.msk @!p0 vm0, v7;
	(pc) =	sbr.rel @p1 .LBB2_46-.Ltmp34, $4  }
0x319: {  	[tilespmem:v12+s4+$0x0] =	vst.idx.msk @!p0 vm0, v7  }
0x31a: {  	[tilespmem:v13+s4+$0x0] =	vst.idx.msk @!p0 vm0, v7  }
0x31b: {  	[tilespmem:v14+s4+$0x0] =	vst.idx.msk @!p0 vm0, v7  }
0x31c: {  	[tilespmem:v15+s4+$0x0] =	vst.idx.msk @!p0 vm0, v7  }
0x31d: {  	_ =	sdelay $0x4  }
0x31e: {  	p1 =	sge.s32 s5, s10;
	[tilespmem:v8+s4+$0x0] =	vst.idx.msk @!p0 vm0, v7;
	s3 =	sadd.s32 $0x10, s3  }
0x31f: {  	v7 =	vld @!p1 [tilespmem:s3+$0x0]  }
0x320: {  	v8 =	vlaneseq.u32 @!p1  }
0x321: {  	v8 =	vor.u32 @!p1 s5, v8  }
0x322: {  	vm0 =	vlt.s32 @!p1 v8, v6;
	_ =	sdelay $0x1  }
0x323: {  	v6 =	vadd.s32 @!p1 $0xFC0, v7  }
0x324: {  	v8 =	vadd.s32 @!p1 $0x1F80, v7  }
0x325: {  	v9 =	vadd.s32 @!p1 $0x2F40, v7  }
0x326: {  	v11 =	vimm.f32 @!p1 $0.0e+00;
	s3 =	simm.s32 @!p1 $0x17080;
	v10 =	vadd.s32 @!p1 $0x3F00, v7  }
0x327: {  	v12 =	vadd.s32 @!p1 $0x4EC0, v7;
	[tilespmem:v7+s3+$0x0] =	vst.idx.msk @!p1 vm0, v11  }
0x328: {  	v13 =	vadd.s32 @!p1 $0x5E80, v7;
	[tilespmem:v6+s3+$0x0] =	vst.idx.msk @!p1 vm0, v11  }
0x329: {  	v6 =	vadd.s32 @!p1 $0x6E40, v7;
	[tilespmem:v8+s3+$0x0] =	vst.idx.msk @!p1 vm0, v11  }
.Ltmp35:
0x32a: {  	[tilespmem:v9+s3+$0x0] =	vst.idx.msk @!p1 vm0, v11;
	(pc) =	sbr.rel .LBB2_48-.Ltmp35, $4  }
0x32b: {  	[tilespmem:v10+s3+$0x0] =	vst.idx.msk @!p1 vm0, v11  }
0x32c: {  	[tilespmem:v12+s3+$0x0] =	vst.idx.msk @!p1 vm0, v11  }
0x32d: {  	[tilespmem:v13+s3+$0x0] =	vst.idx.msk @!p1 vm0, v11  }
0x32e: {  	s4 =	rddreg [dreg:$0x14];
	[tilespmem:v6+s3+$0x0] =	vst.idx.msk @!p1 vm0, v11  }
.LBB2_50:
0x32f: {  	_ =	sfence.sel $0x180000  }
0x330: {  	[bflag:$0x0] =	sbarrier.arrive $0xFFFF  }
0x331: {  	_ =	strace $0x90000047  }
0x332: {  	s0 =	stileid.u32;
	[bflag:$0x2] =	sbarrier.arrive $0xFFFF  }
0x333: {  	p0 =	sne.s32 s0, $0x0;
	s0 =	rddreg [dreg:$0x6]  }
0x334: {  	s0 =	sadd.s32 @!p0 $0x100000, s0  }
0x335: {  	[sflag:s0] =	ssyncadd.tile.s32 @!p0 $0x1;
	_ =	shalt  }
.Lfunc_end2:
_tile_overlayer_lowered:
.L_overlay_start_2:
0x336: {  	(tag) =	ssettag $0x2  }
0x337: {  	s0 =	rddreg [dreg:$0x0];
	s2 =	stileid.u32  }
0x338: {  	s1 =	rddreg [dreg:$0x1];
	p0 =	sne.s32 s2, $0x0  }
0x339: {  	s3 =	rddreg [dreg:$0x2];
	[bflag:$0x3] =	sbarrier.arrive $0xFFFF;
	s2 =	simm.s32 @!p0 $0x1C06  }
0x33a: {  	[timem:s3], [sflag:s2] =	dma.local @!p0 [hbm:s0], s1  }
0x33b: {  	s0 =	simm.s32 @!p0 $0x6  }
0x33c: {  	_ =	swait.ge @!p0 [sflag:s0], s1  }
0x33d: {  	s1 =	ssub.s32 @!p0 $0x0, s1;
	[sflag:s0] =	ssyncset.done @!p0 $0x0  }
0x33e: {  	[sflag:s0] =	ssyncadd.s32 @!p0 s1  }
0x33f: {  	[bflag:$0x3] =	sbarrier.arrive $0xFFFF  }
0x340: {  	_ =	shalt  }

</sc_bundles>
